<compile_context>
chip_gen: v7x
topology: tpu7x:2x2x1
jax: 0.10.2.dev20260603
libtpu: 0.0.44.dev20260713+nightly
codegen_flags: <defaults>
</compile_context>

<pallas_src>
import functools

import jax
import jax.numpy as jnp
from jax import lax
from jax.experimental import pallas as pl
from jax.experimental.pallas import tpu as pltpu
from jax.experimental.pallas import tpu_sc as plsc

VOCAB_P1 = 1000001
VOCAB_PAD = 1000064
NTILE = VOCAB_PAD // 128
EMBED_DIM = 32
BATCH = 16384

_info = plsc.get_sparse_core_info()
_NC, _NS = _info.num_cores, _info.num_subcores
_NW = _NC * _NS
_B_PER_W = BATCH // _NW


def _gather_body(idx_hbm, tabf_hbm, out_hbm, idx_v, flat_v, rows_v, out_v, sem):
    wid = lax.axis_index("s") * _NC + lax.axis_index("c")
    base = wid * _B_PER_W
    pltpu.sync_copy(idx_hbm.at[pl.ds(base, _B_PER_W)], idx_v)

    def build(i, carry):
        r = idx_v[pl.ds(i * 16, 16)]
        hi = (r >> 7) * 1024 + (r & 127)
        for c in range(EMBED_DIM):
            off = (c >> 3) * (NTILE * 1024) + (c & 7) * 128
            flat_v[pl.ds(c * _B_PER_W + i * 16, 16)] = hi + off
        return carry

    lax.fori_loop(0, _B_PER_W // 16, build, None)

    copies = []
    for c in range(EMBED_DIM):
        copies.append(
            pltpu.async_copy(
                tabf_hbm.at[flat_v.at[pl.ds(c * _B_PER_W, _B_PER_W)]],
                rows_v.at[pl.ds(c * _B_PER_W, _B_PER_W)],
                sem,
            )
        )
    for cp in copies:
        cp.wait()

    c_vec = lax.iota(jnp.int32, 16)

    def regroup(i, carry):
        for c2 in range(2):
            v = rows_v[pl.ds((i * 2 + c2) * 16, 16)]
            cc = i * 2 + c2
            c_idx = jnp.full((16,), cc // 32, dtype=jnp.int32)
            j_vec = jnp.full((16,), (cc % 32) * 16, dtype=jnp.int32) + c_vec
            plsc.store_scatter(out_v, [c_idx, j_vec], v)
        return carry

    lax.fori_loop(0, EMBED_DIM * _B_PER_W // 32, regroup, None)
    pltpu.sync_copy(out_v, out_hbm.at[:, pl.ds(base, _B_PER_W)])


@jax.jit
def kernel(item_id, id_table):
    tab_pad = jnp.pad(id_table, ((0, VOCAB_PAD - VOCAB_P1), (0, 0)))
    v2 = tab_pad.T.reshape(4, 8, NTILE, 128)
    v = v2.transpose(0, 2, 1, 3)
    tab_flat = v.reshape(-1)
    mesh = plsc.VectorSubcoreMesh(core_axis_name="c", subcore_axis_name="s")
    gather = functools.partial(
        pl.kernel,
        mesh=mesh,
        out_type=jax.ShapeDtypeStruct((EMBED_DIM, BATCH), jnp.float32),
        scratch_types=[
            pltpu.VMEM((_B_PER_W,), jnp.int32),
            pltpu.VMEM((EMBED_DIM * _B_PER_W,), jnp.int32),
            pltpu.VMEM((EMBED_DIM * _B_PER_W,), jnp.float32),
            pltpu.VMEM((EMBED_DIM, _B_PER_W), jnp.float32),
            pltpu.SemaphoreType.DMA,
        ],
        compiler_params=pltpu.CompilerParams(
            use_tc_tiling_on_sc=False, needs_layout_passes=False
        ),
    )(_gather_body)
    out_t = gather(item_id.astype(jnp.int32), tab_flat)
    return out_t.T

# --- scband reference (transcript-rebuilt; emitter-appended) ---
"""Pipeline reference for scband-product-model-19370302505762 (READ-ONLY COPY).

The authoritative reference and input builder live on the scoring server;
editing this copy changes nothing except your own understanding.
"""

import jax, jax.numpy as jnp
import numpy as np

VOCAB = 1000000
EMBED_DIM = 32
BATCH = 16384

def setup_inputs(seed: int = 0) -> dict:
    key = jax.random.key(seed)
    k1, k2 = jax.random.split(key)
    item_id = jax.random.randint(k1, (BATCH,), 0, VOCAB + 1, dtype=jnp.int64 if jax.config.jax_enable_x64 else jnp.int32)
    id_table = jax.random.normal(k2, (VOCAB + 1, EMBED_DIM), dtype=jnp.float32) * 0.05
    return {"item_id": item_id, "id_table": id_table}

def reference(item_id, id_table):
    # ProductModel with use_style_tags_and_description=False, use_other=False:
    #   embed = id_embedding(inputs['item_id'])  (StringLookup -> int ids, then Embedding)
    #   return tf.concat([embed], axis=1)
    # StringLookup is modeled as precomputed integer ids; Embedding is a row gather.
    embed = jnp.take(id_table, item_id, axis=0)
    out = jnp.concatenate([embed], axis=1)
    return out

if __name__ == "__main__":
    import jax
    _d = setup_inputs()
    print(jax.jit(kernel)(*tuple(_d.values())))

</pallas_src>

<mosaic_0001>
#map = affine_map<(d0, d1) -> (0)>
#map1 = affine_map<(d0, d1) -> (0, 0)>
module attributes {stable_mosaic.version = 14 : i64} {
  func.func @_gather_body(%arg0: i32, %arg1: i32, %arg2: memref<16384xi32, #tpu.memory_space<hbm>>, %arg3: memref<32002048xf32, #tpu.memory_space<hbm>>, %arg4: memref<32x16384xf32, #tpu.memory_space<hbm>>, %arg5: memref<512xi32, #tpu.memory_space<vmem>>, %arg6: memref<16384xi32, #tpu.memory_space<vmem>>, %arg7: memref<16384xf32, #tpu.memory_space<vmem>>, %arg8: memref<32x512xf32, #tpu.memory_space<vmem>>, %arg9: memref<!tpu.dma_semaphore, #tpu.memory_space<semaphore_mem>>) attributes {dimension_semantics = [#tpu.dimension_semantics<core_parallel>, #tpu.dimension_semantics<subcore_parallel>], iteration_bounds = array<i64: 2, 16>, scalar_prefetch = 0 : i64, scratch_operands = 5 : i64, tpu.core_type = #tpu.core_type<sc_vector_subcore>, window_params = [{transform_indices = #map}, {transform_indices = #map}, {transform_indices = #map1}]} {
    %mul3A = arith.constant 2 : i32
    %mul3A_0 = arith.muli %arg1, %mul3A : i32
    %add3A = arith.addi %mul3A_0, %arg0 : i32
    %mul3A_1 = arith.constant 512 : i32
    %mul3A_2 = arith.muli %add3A, %mul3A_1 : i32
    "tpu.region"() ({
      %run_scoped3A = tpu.sem_alloc : memref<!tpu.dma_semaphore, #tpu.memory_space<semaphore_mem>>
      %dma_start3A_394 = tpu.memref_slice %arg2[%mul3A_2] : memref<16384xi32, #tpu.memory_space<hbm>> -> memref<512xi32, #tpu.memory_space<hbm>>
      %dma_start3A_395 = tpu.memref_slice %arg2[%mul3A_2] : memref<16384xi32, #tpu.memory_space<hbm>> -> memref<512xi32, #tpu.memory_space<hbm>>
      tpu.enqueue_dma source(%dma_start3A_395 : memref<512xi32, #tpu.memory_space<hbm>>) target(%arg5 : memref<512xi32, #tpu.memory_space<vmem>>) target_semaphore(%run_scoped3A : memref<!tpu.dma_semaphore, #tpu.memory_space<semaphore_mem>>)
      %dma_wait3A_396 = tpu.memref_slice %arg2[%mul3A_2] : memref<16384xi32, #tpu.memory_space<hbm>> -> memref<512xi32, #tpu.memory_space<hbm>>
      %dma_wait3A_397 = tpu.memref_slice %arg2[%mul3A_2] : memref<16384xi32, #tpu.memory_space<hbm>> -> memref<512xi32, #tpu.memory_space<hbm>>
      tpu.wait_dma2 semaphore(%run_scoped3A : memref<!tpu.dma_semaphore, #tpu.memory_space<semaphore_mem>>) src(%dma_wait3A_397 : memref<512xi32, #tpu.memory_space<hbm>>) dst(%arg5 : memref<512xi32, #tpu.memory_space<vmem>>)
      tpu.yield
    }) : () -> ()
    %scan3A = arith.constant 0 : i32
    %scan3A_3 = arith.constant 32 : i32
    %scan3A_4 = arith.addi %scan3A, %scan3A_3 : i32
    %scan3A_5 = arith.constant 1 : i32
    scf.for %scan3A_394 = %scan3A to %scan3A_4 step %scan3A_5  : i32 {
      %mul3A_395 = arith.constant 16 : i32
      %mul3A_396 = arith.muli %scan3A_394, %mul3A_395 : i32
      %get3A = arith.index_cast %mul3A_396 : i32 to index
      %get3A_397 = tpu.vector_load %arg5[%get3A] {strides = array<i32>} : memref<512xi32, #tpu.memory_space<vmem>>, vector<16xi32>,
      %shift_right_arithmetic3A = arith.constant 7 : i32
      %shift_right_arithmetic3A_398 = vector.broadcast %shift_right_arithmetic3A : i32 to vector<16xi32>
      %shift_right_arithmetic3A_399 = arith.shrsi %get3A_397, %shift_right_arithmetic3A_398 : vector<16xi32>
      %mul3A_400 = arith.constant 1024 : i32
      %mul3A_401 = vector.broadcast %mul3A_400 : i32 to vector<16xi32>
      %mul3A_402 = arith.muli %shift_right_arithmetic3A_399, %mul3A_401 : vector<16xi32>
      %and3A = arith.constant 127 : i32
      %and3A_403 = vector.broadcast %and3A : i32 to vector<16xi32>
      %and3A_404 = arith.andi %get3A_397, %and3A_403 : vector<16xi32>
      %add3A_405 = arith.addi %mul3A_402, %and3A_404 : vector<16xi32>
      %add3A_406 = arith.constant 0 : i32
      %add3A_407 = vector.broadcast %add3A_406 : i32 to vector<16xi32>
      %add3A_408 = arith.addi %add3A_405, %add3A_407 : vector<16xi32>
      %mul3A_409 = arith.constant 16 : i32
      %mul3A_410 = arith.muli %scan3A_394, %mul3A_409 : i32
      %add3A_411 = arith.constant 0 : i32
      %add3A_412 = arith.addi %add3A_411, %mul3A_410 : i32
      %swap3A = arith.index_cast %add3A_412 : i32 to index
      %swap3A_413 = tpu.vector_load %arg6[%swap3A] {strides = array<i32>} : memref<16384xi32, #tpu.memory_space<vmem>>, vector<16xi32>,
      tpu.vector_store %arg6[%swap3A], %add3A_408 {strides = array<i32>} : memref<16384xi32, #tpu.memory_space<vmem>>, vector<16xi32>,
      %add3A_414 = arith.constant 128 : i32
      %add3A_415 = vector.broadcast %add3A_414 : i32 to vector<16xi32>
      %add3A_416 = arith.addi %add3A_405, %add3A_415 : vector<16xi32>
      %mul3A_417 = arith.constant 16 : i32
      %mul3A_418 = arith.muli %scan3A_394, %mul3A_417 : i32
      %add3A_419 = arith.constant 512 : i32
      %add3A_420 = arith.addi %add3A_419, %mul3A_418 : i32
      %swap3A_421 = arith.index_cast %add3A_420 : i32 to index
      %swap3A_422 = tpu.vector_load %arg6[%swap3A_421] {strides = array<i32>} : memref<16384xi32, #tpu.memory_space<vmem>>, vector<16xi32>,
      tpu.vector_store %arg6[%swap3A_421], %add3A_416 {strides = array<i32>} : memref<16384xi32, #tpu.memory_space<vmem>>, vector<16xi32>,
      %add3A_423 = arith.constant 256 : i32
      %add3A_424 = vector.broadcast %add3A_423 : i32 to vector<16xi32>
      %add3A_425 = arith.addi %add3A_405, %add3A_424 : vector<16xi32>
      %mul3A_426 = arith.constant 16 : i32
      %mul3A_427 = arith.muli %scan3A_394, %mul3A_426 : i32
      %add3A_428 = arith.constant 1024 : i32
      %add3A_429 = arith.addi %add3A_428, %mul3A_427 : i32
      %swap3A_430 = arith.index_cast %add3A_429 : i32 to index
      %swap3A_431 = tpu.vector_load %arg6[%swap3A_430] {strides = array<i32>} : memref<16384xi32, #tpu.memory_space<vmem>>, vector<16xi32>,
      tpu.vector_store %arg6[%swap3A_430], %add3A_425 {strides = array<i32>} : memref<16384xi32, #tpu.memory_space<vmem>>, vector<16xi32>,
      %add3A_432 = arith.constant 384 : i32
      %add3A_433 = vector.broadcast %add3A_432 : i32 to vector<16xi32>
      %add3A_434 = arith.addi %add3A_405, %add3A_433 : vector<16xi32>
      %mul3A_435 = arith.constant 16 : i32
      %mul3A_436 = arith.muli %scan3A_394, %mul3A_435 : i32
      %add3A_437 = arith.constant 1536 : i32
      %add3A_438 = arith.addi %add3A_437, %mul3A_436 : i32
      %swap3A_439 = arith.index_cast %add3A_438 : i32 to index
      %swap3A_440 = tpu.vector_load %arg6[%swap3A_439] {strides = array<i32>} : memref<16384xi32, #tpu.memory_space<vmem>>, vector<16xi32>,
      tpu.vector_store %arg6[%swap3A_439], %add3A_434 {strides = array<i32>} : memref<16384xi32, #tpu.memory_space<vmem>>, vector<16xi32>,
      %add3A_441 = arith.constant 512 : i32
      %add3A_442 = vector.broadcast %add3A_441 : i32 to vector<16xi32>
      %add3A_443 = arith.addi %add3A_405, %add3A_442 : vector<16xi32>
      %mul3A_444 = arith.constant 16 : i32
      %mul3A_445 = arith.muli %scan3A_394, %mul3A_444 : i32
      %add3A_446 = arith.constant 2048 : i32
      %add3A_447 = arith.addi %add3A_446, %mul3A_445 : i32
      %swap3A_448 = arith.index_cast %add3A_447 : i32 to index
      %swap3A_449 = tpu.vector_load %arg6[%swap3A_448] {strides = array<i32>} : memref<16384xi32, #tpu.memory_space<vmem>>, vector<16xi32>,
      tpu.vector_store %arg6[%swap3A_448], %add3A_443 {strides = array<i32>} : memref<16384xi32, #tpu.memory_space<vmem>>, vector<16xi32>,
      %add3A_450 = arith.constant 640 : i32
      %add3A_451 = vector.broadcast %add3A_450 : i32 to vector<16xi32>
      %add3A_452 = arith.addi %add3A_405, %add3A_451 : vector<16xi32>
      %mul3A_453 = arith.constant 16 : i32
      %mul3A_454 = arith.muli %scan3A_394, %mul3A_453 : i32
      %add3A_455 = arith.constant 2560 : i32
      %add3A_456 = arith.addi %add3A_455, %mul3A_454 : i32
      %swap3A_457 = arith.index_cast %add3A_456 : i32 to index
      %swap3A_458 = tpu.vector_load %arg6[%swap3A_457] {strides = array<i32>} : memref<16384xi32, #tpu.memory_space<vmem>>, vector<16xi32>,
      tpu.vector_store %arg6[%swap3A_457], %add3A_452 {strides = array<i32>} : memref<16384xi32, #tpu.memory_space<vmem>>, vector<16xi32>,
      %add3A_459 = arith.constant 768 : i32
      %add3A_460 = vector.broadcast %add3A_459 : i32 to vector<16xi32>
      %add3A_461 = arith.addi %add3A_405, %add3A_460 : vector<16xi32>
      %mul3A_462 = arith.constant 16 : i32
      %mul3A_463 = arith.muli %scan3A_394, %mul3A_462 : i32
      %add3A_464 = arith.constant 3072 : i32
      %add3A_465 = arith.addi %add3A_464, %mul3A_463 : i32
      %swap3A_466 = arith.index_cast %add3A_465 : i32 to index
      %swap3A_467 = tpu.vector_load %arg6[%swap3A_466] {strides = array<i32>} : memref<16384xi32, #tpu.memory_space<vmem>>, vector<16xi32>,
      tpu.vector_store %arg6[%swap3A_466], %add3A_461 {strides = array<i32>} : memref<16384xi32, #tpu.memory_space<vmem>>, vector<16xi32>,
      %add3A_468 = arith.constant 896 : i32
      %add3A_469 = vector.broadcast %add3A_468 : i32 to vector<16xi32>
      %add3A_470 = arith.addi %add3A_405, %add3A_469 : vector<16xi32>
      %mul3A_471 = arith.constant 16 : i32
      %mul3A_472 = arith.muli %scan3A_394, %mul3A_471 : i32
      %add3A_473 = arith.constant 3584 : i32
      %add3A_474 = arith.addi %add3A_473, %mul3A_472 : i32
      %swap3A_475 = arith.index_cast %add3A_474 : i32 to index
      %swap3A_476 = tpu.vector_load %arg6[%swap3A_475] {strides = array<i32>} : memref<16384xi32, #tpu.memory_space<vmem>>, vector<16xi32>,
      tpu.vector_store %arg6[%swap3A_475], %add3A_470 {strides = array<i32>} : memref<16384xi32, #tpu.memory_space<vmem>>, vector<16xi32>,
      %add3A_477 = arith.constant 8000512 : i32
      %add3A_478 = vector.broadcast %add3A_477 : i32 to vector<16xi32>
      %add3A_479 = arith.addi %add3A_405, %add3A_478 : vector<16xi32>
      %mul3A_480 = arith.constant 16 : i32
      %mul3A_481 = arith.muli %scan3A_394, %mul3A_480 : i32
      %add3A_482 = arith.constant 4096 : i32
      %add3A_483 = arith.addi %add3A_482, %mul3A_481 : i32
      %swap3A_484 = arith.index_cast %add3A_483 : i32 to index
      %swap3A_485 = tpu.vector_load %arg6[%swap3A_484] {strides = array<i32>} : memref<16384xi32, #tpu.memory_space<vmem>>, vector<16xi32>,
      tpu.vector_store %arg6[%swap3A_484], %add3A_479 {strides = array<i32>} : memref<16384xi32, #tpu.memory_space<vmem>>, vector<16xi32>,
      %add3A_486 = arith.constant 8000640 : i32
      %add3A_487 = vector.broadcast %add3A_486 : i32 to vector<16xi32>
      %add3A_488 = arith.addi %add3A_405, %add3A_487 : vector<16xi32>
      %mul3A_489 = arith.constant 16 : i32
      %mul3A_490 = arith.muli %scan3A_394, %mul3A_489 : i32
      %add3A_491 = arith.constant 4608 : i32
      %add3A_492 = arith.addi %add3A_491, %mul3A_490 : i32
      %swap3A_493 = arith.index_cast %add3A_492 : i32 to index
      %swap3A_494 = tpu.vector_load %arg6[%swap3A_493] {strides = array<i32>} : memref<16384xi32, #tpu.memory_space<vmem>>, vector<16xi32>,
      tpu.vector_store %arg6[%swap3A_493], %add3A_488 {strides = array<i32>} : memref<16384xi32, #tpu.memory_space<vmem>>, vector<16xi32>,
      %add3A_495 = arith.constant 8000768 : i32
      %add3A_496 = vector.broadcast %add3A_495 : i32 to vector<16xi32>
      %add3A_497 = arith.addi %add3A_405, %add3A_496 : vector<16xi32>
      %mul3A_498 = arith.constant 16 : i32
      %mul3A_499 = arith.muli %scan3A_394, %mul3A_498 : i32
      %add3A_500 = arith.constant 5120 : i32
      %add3A_501 = arith.addi %add3A_500, %mul3A_499 : i32
      %swap3A_502 = arith.index_cast %add3A_501 : i32 to index
      %swap3A_503 = tpu.vector_load %arg6[%swap3A_502] {strides = array<i32>} : memref<16384xi32, #tpu.memory_space<vmem>>, vector<16xi32>,
      tpu.vector_store %arg6[%swap3A_502], %add3A_497 {strides = array<i32>} : memref<16384xi32, #tpu.memory_space<vmem>>, vector<16xi32>,
      %add3A_504 = arith.constant 8000896 : i32
      %add3A_505 = vector.broadcast %add3A_504 : i32 to vector<16xi32>
      %add3A_506 = arith.addi %add3A_405, %add3A_505 : vector<16xi32>
      %mul3A_507 = arith.constant 16 : i32
      %mul3A_508 = arith.muli %scan3A_394, %mul3A_507 : i32
      %add3A_509 = arith.constant 5632 : i32
      %add3A_510 = arith.addi %add3A_509, %mul3A_508 : i32
      %swap3A_511 = arith.index_cast %add3A_510 : i32 to index
      %swap3A_512 = tpu.vector_load %arg6[%swap3A_511] {strides = array<i32>} : memref<16384xi32, #tpu.memory_space<vmem>>, vector<16xi32>,
      tpu.vector_store %arg6[%swap3A_511], %add3A_506 {strides = array<i32>} : memref<16384xi32, #tpu.memory_space<vmem>>, vector<16xi32>,
      %add3A_513 = arith.constant 8001024 : i32
      %add3A_514 = vector.broadcast %add3A_513 : i32 to vector<16xi32>
      %add3A_515 = arith.addi %add3A_405, %add3A_514 : vector<16xi32>
      %mul3A_516 = arith.constant 16 : i32
      %mul3A_517 = arith.muli %scan3A_394, %mul3A_516 : i32
      %add3A_518 = arith.constant 6144 : i32
      %add3A_519 = arith.addi %add3A_518, %mul3A_517 : i32
      %swap3A_520 = arith.index_cast %add3A_519 : i32 to index
      %swap3A_521 = tpu.vector_load %arg6[%swap3A_520] {strides = array<i32>} : memref<16384xi32, #tpu.memory_space<vmem>>, vector<16xi32>,
      tpu.vector_store %arg6[%swap3A_520], %add3A_515 {strides = array<i32>} : memref<16384xi32, #tpu.memory_space<vmem>>, vector<16xi32>,
      %add3A_522 = arith.constant 8001152 : i32
      %add3A_523 = vector.broadcast %add3A_522 : i32 to vector<16xi32>
      %add3A_524 = arith.addi %add3A_405, %add3A_523 : vector<16xi32>
      %mul3A_525 = arith.constant 16 : i32
      %mul3A_526 = arith.muli %scan3A_394, %mul3A_525 : i32
      %add3A_527 = arith.constant 6656 : i32
      %add3A_528 = arith.addi %add3A_527, %mul3A_526 : i32
      %swap3A_529 = arith.index_cast %add3A_528 : i32 to index
      %swap3A_530 = tpu.vector_load %arg6[%swap3A_529] {strides = array<i32>} : memref<16384xi32, #tpu.memory_space<vmem>>, vector<16xi32>,
      tpu.vector_store %arg6[%swap3A_529], %add3A_524 {strides = array<i32>} : memref<16384xi32, #tpu.memory_space<vmem>>, vector<16xi32>,
      %add3A_531 = arith.constant 8001280 : i32
      %add3A_532 = vector.broadcast %add3A_531 : i32 to vector<16xi32>
      %add3A_533 = arith.addi %add3A_405, %add3A_532 : vector<16xi32>
      %mul3A_534 = arith.constant 16 : i32
      %mul3A_535 = arith.muli %scan3A_394, %mul3A_534 : i32
      %add3A_536 = arith.constant 7168 : i32
      %add3A_537 = arith.addi %add3A_536, %mul3A_535 : i32
      %swap3A_538 = arith.index_cast %add3A_537 : i32 to index
      %swap3A_539 = tpu.vector_load %arg6[%swap3A_538] {strides = array<i32>} : memref<16384xi32, #tpu.memory_space<vmem>>, vector<16xi32>,
      tpu.vector_store %arg6[%swap3A_538], %add3A_533 {strides = array<i32>} : memref<16384xi32, #tpu.memory_space<vmem>>, vector<16xi32>,
      %add3A_540 = arith.constant 8001408 : i32
      %add3A_541 = vector.broadcast %add3A_540 : i32 to vector<16xi32>
      %add3A_542 = arith.addi %add3A_405, %add3A_541 : vector<16xi32>
      %mul3A_543 = arith.constant 16 : i32
      %mul3A_544 = arith.muli %scan3A_394, %mul3A_543 : i32
      %add3A_545 = arith.constant 7680 : i32
      %add3A_546 = arith.addi %add3A_545, %mul3A_544 : i32
      %swap3A_547 = arith.index_cast %add3A_546 : i32 to index
      %swap3A_548 = tpu.vector_load %arg6[%swap3A_547] {strides = array<i32>} : memref<16384xi32, #tpu.memory_space<vmem>>, vector<16xi32>,
      tpu.vector_store %arg6[%swap3A_547], %add3A_542 {strides = array<i32>} : memref<16384xi32, #tpu.memory_space<vmem>>, vector<16xi32>,
      %add3A_549 = arith.constant 16001024 : i32
      %add3A_550 = vector.broadcast %add3A_549 : i32 to vector<16xi32>
      %add3A_551 = arith.addi %add3A_405, %add3A_550 : vector<16xi32>
      %mul3A_552 = arith.constant 16 : i32
      %mul3A_553 = arith.muli %scan3A_394, %mul3A_552 : i32
      %add3A_554 = arith.constant 8192 : i32
      %add3A_555 = arith.addi %add3A_554, %mul3A_553 : i32
      %swap3A_556 = arith.index_cast %add3A_555 : i32 to index
      %swap3A_557 = tpu.vector_load %arg6[%swap3A_556] {strides = array<i32>} : memref<16384xi32, #tpu.memory_space<vmem>>, vector<16xi32>,
      tpu.vector_store %arg6[%swap3A_556], %add3A_551 {strides = array<i32>} : memref<16384xi32, #tpu.memory_space<vmem>>, vector<16xi32>,
      %add3A_558 = arith.constant 16001152 : i32
      %add3A_559 = vector.broadcast %add3A_558 : i32 to vector<16xi32>
      %add3A_560 = arith.addi %add3A_405, %add3A_559 : vector<16xi32>
      %mul3A_561 = arith.constant 16 : i32
      %mul3A_562 = arith.muli %scan3A_394, %mul3A_561 : i32
      %add3A_563 = arith.constant 8704 : i32
      %add3A_564 = arith.addi %add3A_563, %mul3A_562 : i32
      %swap3A_565 = arith.index_cast %add3A_564 : i32 to index
      %swap3A_566 = tpu.vector_load %arg6[%swap3A_565] {strides = array<i32>} : memref<16384xi32, #tpu.memory_space<vmem>>, vector<16xi32>,
      tpu.vector_store %arg6[%swap3A_565], %add3A_560 {strides = array<i32>} : memref<16384xi32, #tpu.memory_space<vmem>>, vector<16xi32>,
      %add3A_567 = arith.constant 16001280 : i32
      %add3A_568 = vector.broadcast %add3A_567 : i32 to vector<16xi32>
      %add3A_569 = arith.addi %add3A_405, %add3A_568 : vector<16xi32>
      %mul3A_570 = arith.constant 16 : i32
      %mul3A_571 = arith.muli %scan3A_394, %mul3A_570 : i32
      %add3A_572 = arith.constant 9216 : i32
      %add3A_573 = arith.addi %add3A_572, %mul3A_571 : i32
      %swap3A_574 = arith.index_cast %add3A_573 : i32 to index
      %swap3A_575 = tpu.vector_load %arg6[%swap3A_574] {strides = array<i32>} : memref<16384xi32, #tpu.memory_space<vmem>>, vector<16xi32>,
      tpu.vector_store %arg6[%swap3A_574], %add3A_569 {strides = array<i32>} : memref<16384xi32, #tpu.memory_space<vmem>>, vector<16xi32>,
      %add3A_576 = arith.constant 16001408 : i32
      %add3A_577 = vector.broadcast %add3A_576 : i32 to vector<16xi32>
      %add3A_578 = arith.addi %add3A_405, %add3A_577 : vector<16xi32>
      %mul3A_579 = arith.constant 16 : i32
      %mul3A_580 = arith.muli %scan3A_394, %mul3A_579 : i32
      %add3A_581 = arith.constant 9728 : i32
      %add3A_582 = arith.addi %add3A_581, %mul3A_580 : i32
      %swap3A_583 = arith.index_cast %add3A_582 : i32 to index
      %swap3A_584 = tpu.vector_load %arg6[%swap3A_583] {strides = array<i32>} : memref<16384xi32, #tpu.memory_space<vmem>>, vector<16xi32>,
      tpu.vector_store %arg6[%swap3A_583], %add3A_578 {strides = array<i32>} : memref<16384xi32, #tpu.memory_space<vmem>>, vector<16xi32>,
      %add3A_585 = arith.constant 16001536 : i32
      %add3A_586 = vector.broadcast %add3A_585 : i32 to vector<16xi32>
      %add3A_587 = arith.addi %add3A_405, %add3A_586 : vector<16xi32>
      %mul3A_588 = arith.constant 16 : i32
      %mul3A_589 = arith.muli %scan3A_394, %mul3A_588 : i32
      %add3A_590 = arith.constant 10240 : i32
      %add3A_591 = arith.addi %add3A_590, %mul3A_589 : i32
      %swap3A_592 = arith.index_cast %add3A_591 : i32 to index
      %swap3A_593 = tpu.vector_load %arg6[%swap3A_592] {strides = array<i32>} : memref<16384xi32, #tpu.memory_space<vmem>>, vector<16xi32>,
      tpu.vector_store %arg6[%swap3A_592], %add3A_587 {strides = array<i32>} : memref<16384xi32, #tpu.memory_space<vmem>>, vector<16xi32>,
      %add3A_594 = arith.constant 16001664 : i32
      %add3A_595 = vector.broadcast %add3A_594 : i32 to vector<16xi32>
      %add3A_596 = arith.addi %add3A_405, %add3A_595 : vector<16xi32>
      %mul3A_597 = arith.constant 16 : i32
      %mul3A_598 = arith.muli %scan3A_394, %mul3A_597 : i32
      %add3A_599 = arith.constant 10752 : i32
      %add3A_600 = arith.addi %add3A_599, %mul3A_598 : i32
      %swap3A_601 = arith.index_cast %add3A_600 : i32 to index
      %swap3A_602 = tpu.vector_load %arg6[%swap3A_601] {strides = array<i32>} : memref<16384xi32, #tpu.memory_space<vmem>>, vector<16xi32>,
      tpu.vector_store %arg6[%swap3A_601], %add3A_596 {strides = array<i32>} : memref<16384xi32, #tpu.memory_space<vmem>>, vector<16xi32>,
      %add3A_603 = arith.constant 16001792 : i32
      %add3A_604 = vector.broadcast %add3A_603 : i32 to vector<16xi32>
      %add3A_605 = arith.addi %add3A_405, %add3A_604 : vector<16xi32>
      %mul3A_606 = arith.constant 16 : i32
      %mul3A_607 = arith.muli %scan3A_394, %mul3A_606 : i32
      %add3A_608 = arith.constant 11264 : i32
      %add3A_609 = arith.addi %add3A_608, %mul3A_607 : i32
      %swap3A_610 = arith.index_cast %add3A_609 : i32 to index
      %swap3A_611 = tpu.vector_load %arg6[%swap3A_610] {strides = array<i32>} : memref<16384xi32, #tpu.memory_space<vmem>>, vector<16xi32>,
      tpu.vector_store %arg6[%swap3A_610], %add3A_605 {strides = array<i32>} : memref<16384xi32, #tpu.memory_space<vmem>>, vector<16xi32>,
      %add3A_612 = arith.constant 16001920 : i32
      %add3A_613 = vector.broadcast %add3A_612 : i32 to vector<16xi32>
      %add3A_614 = arith.addi %add3A_405, %add3A_613 : vector<16xi32>
      %mul3A_615 = arith.constant 16 : i32
      %mul3A_616 = arith.muli %scan3A_394, %mul3A_615 : i32
      %add3A_617 = arith.constant 11776 : i32
      %add3A_618 = arith.addi %add3A_617, %mul3A_616 : i32
      %swap3A_619 = arith.index_cast %add3A_618 : i32 to index
      %swap3A_620 = tpu.vector_load %arg6[%swap3A_619] {strides = array<i32>} : memref<16384xi32, #tpu.memory_space<vmem>>, vector<16xi32>,
      tpu.vector_store %arg6[%swap3A_619], %add3A_614 {strides = array<i32>} : memref<16384xi32, #tpu.memory_space<vmem>>, vector<16xi32>,
      %add3A_621 = arith.constant 24001536 : i32
      %add3A_622 = vector.broadcast %add3A_621 : i32 to vector<16xi32>
      %add3A_623 = arith.addi %add3A_405, %add3A_622 : vector<16xi32>
      %mul3A_624 = arith.constant 16 : i32
      %mul3A_625 = arith.muli %scan3A_394, %mul3A_624 : i32
      %add3A_626 = arith.constant 12288 : i32
      %add3A_627 = arith.addi %add3A_626, %mul3A_625 : i32
      %swap3A_628 = arith.index_cast %add3A_627 : i32 to index
      %swap3A_629 = tpu.vector_load %arg6[%swap3A_628] {strides = array<i32>} : memref<16384xi32, #tpu.memory_space<vmem>>, vector<16xi32>,
      tpu.vector_store %arg6[%swap3A_628], %add3A_623 {strides = array<i32>} : memref<16384xi32, #tpu.memory_space<vmem>>, vector<16xi32>,
      %add3A_630 = arith.constant 24001664 : i32
      %add3A_631 = vector.broadcast %add3A_630 : i32 to vector<16xi32>
      %add3A_632 = arith.addi %add3A_405, %add3A_631 : vector<16xi32>
      %mul3A_633 = arith.constant 16 : i32
      %mul3A_634 = arith.muli %scan3A_394, %mul3A_633 : i32
      %add3A_635 = arith.constant 12800 : i32
      %add3A_636 = arith.addi %add3A_635, %mul3A_634 : i32
      %swap3A_637 = arith.index_cast %add3A_636 : i32 to index
      %swap3A_638 = tpu.vector_load %arg6[%swap3A_637] {strides = array<i32>} : memref<16384xi32, #tpu.memory_space<vmem>>, vector<16xi32>,
      tpu.vector_store %arg6[%swap3A_637], %add3A_632 {strides = array<i32>} : memref<16384xi32, #tpu.memory_space<vmem>>, vector<16xi32>,
      %add3A_639 = arith.constant 24001792 : i32
      %add3A_640 = vector.broadcast %add3A_639 : i32 to vector<16xi32>
      %add3A_641 = arith.addi %add3A_405, %add3A_640 : vector<16xi32>
      %mul3A_642 = arith.constant 16 : i32
      %mul3A_643 = arith.muli %scan3A_394, %mul3A_642 : i32
      %add3A_644 = arith.constant 13312 : i32
      %add3A_645 = arith.addi %add3A_644, %mul3A_643 : i32
      %swap3A_646 = arith.index_cast %add3A_645 : i32 to index
      %swap3A_647 = tpu.vector_load %arg6[%swap3A_646] {strides = array<i32>} : memref<16384xi32, #tpu.memory_space<vmem>>, vector<16xi32>,
      tpu.vector_store %arg6[%swap3A_646], %add3A_641 {strides = array<i32>} : memref<16384xi32, #tpu.memory_space<vmem>>, vector<16xi32>,
      %add3A_648 = arith.constant 24001920 : i32
      %add3A_649 = vector.broadcast %add3A_648 : i32 to vector<16xi32>
      %add3A_650 = arith.addi %add3A_405, %add3A_649 : vector<16xi32>
      %mul3A_651 = arith.constant 16 : i32
      %mul3A_652 = arith.muli %scan3A_394, %mul3A_651 : i32
      %add3A_653 = arith.constant 13824 : i32
      %add3A_654 = arith.addi %add3A_653, %mul3A_652 : i32
      %swap3A_655 = arith.index_cast %add3A_654 : i32 to index
      %swap3A_656 = tpu.vector_load %arg6[%swap3A_655] {strides = array<i32>} : memref<16384xi32, #tpu.memory_space<vmem>>, vector<16xi32>,
      tpu.vector_store %arg6[%swap3A_655], %add3A_650 {strides = array<i32>} : memref<16384xi32, #tpu.memory_space<vmem>>, vector<16xi32>,
      %add3A_657 = arith.constant 24002048 : i32
      %add3A_658 = vector.broadcast %add3A_657 : i32 to vector<16xi32>
      %add3A_659 = arith.addi %add3A_405, %add3A_658 : vector<16xi32>
      %mul3A_660 = arith.constant 16 : i32
      %mul3A_661 = arith.muli %scan3A_394, %mul3A_660 : i32
      %add3A_662 = arith.constant 14336 : i32
      %add3A_663 = arith.addi %add3A_662, %mul3A_661 : i32
      %swap3A_664 = arith.index_cast %add3A_663 : i32 to index
      %swap3A_665 = tpu.vector_load %arg6[%swap3A_664] {strides = array<i32>} : memref<16384xi32, #tpu.memory_space<vmem>>, vector<16xi32>,
      tpu.vector_store %arg6[%swap3A_664], %add3A_659 {strides = array<i32>} : memref<16384xi32, #tpu.memory_space<vmem>>, vector<16xi32>,
      %add3A_666 = arith.constant 24002176 : i32
      %add3A_667 = vector.broadcast %add3A_666 : i32 to vector<16xi32>
      %add3A_668 = arith.addi %add3A_405, %add3A_667 : vector<16xi32>
      %mul3A_669 = arith.constant 16 : i32
      %mul3A_670 = arith.muli %scan3A_394, %mul3A_669 : i32
      %add3A_671 = arith.constant 14848 : i32
      %add3A_672 = arith.addi %add3A_671, %mul3A_670 : i32
      %swap3A_673 = arith.index_cast %add3A_672 : i32 to index
      %swap3A_674 = tpu.vector_load %arg6[%swap3A_673] {strides = array<i32>} : memref<16384xi32, #tpu.memory_space<vmem>>, vector<16xi32>,
      tpu.vector_store %arg6[%swap3A_673], %add3A_668 {strides = array<i32>} : memref<16384xi32, #tpu.memory_space<vmem>>, vector<16xi32>,
      %add3A_675 = arith.constant 24002304 : i32
      %add3A_676 = vector.broadcast %add3A_675 : i32 to vector<16xi32>
      %add3A_677 = arith.addi %add3A_405, %add3A_676 : vector<16xi32>
      %mul3A_678 = arith.constant 16 : i32
      %mul3A_679 = arith.muli %scan3A_394, %mul3A_678 : i32
      %add3A_680 = arith.constant 15360 : i32
      %add3A_681 = arith.addi %add3A_680, %mul3A_679 : i32
      %swap3A_682 = arith.index_cast %add3A_681 : i32 to index
      %swap3A_683 = tpu.vector_load %arg6[%swap3A_682] {strides = array<i32>} : memref<16384xi32, #tpu.memory_space<vmem>>, vector<16xi32>,
      tpu.vector_store %arg6[%swap3A_682], %add3A_677 {strides = array<i32>} : memref<16384xi32, #tpu.memory_space<vmem>>, vector<16xi32>,
      %add3A_684 = arith.constant 24002432 : i32
      %add3A_685 = vector.broadcast %add3A_684 : i32 to vector<16xi32>
      %add3A_686 = arith.addi %add3A_405, %add3A_685 : vector<16xi32>
      %mul3A_687 = arith.constant 16 : i32
      %mul3A_688 = arith.muli %scan3A_394, %mul3A_687 : i32
      %add3A_689 = arith.constant 15872 : i32
      %add3A_690 = arith.addi %add3A_689, %mul3A_688 : i32
      %swap3A_691 = arith.index_cast %add3A_690 : i32 to index
      %swap3A_692 = tpu.vector_load %arg6[%swap3A_691] {strides = array<i32>} : memref<16384xi32, #tpu.memory_space<vmem>>, vector<16xi32>,
      tpu.vector_store %arg6[%swap3A_691], %add3A_686 {strides = array<i32>} : memref<16384xi32, #tpu.memory_space<vmem>>, vector<16xi32>,
    }
    %scan3A_6 = arith.constant 32 : i32
    %dma_start3A = arith.constant 0 : i32
    %dma_start3A_7 = tpu.memref_slice %arg7[%dma_start3A] : memref<16384xf32, #tpu.memory_space<vmem>> -> memref<512xf32, #tpu.memory_space<vmem>>
    %dma_start3A_8 = arith.constant 0 : i32
    %dma_start3A_9 = tpu.memref_slice %arg6[%dma_start3A_8] : memref<16384xi32, #tpu.memory_space<vmem>> -> memref<512xi32, #tpu.memory_space<vmem>>
    %dma_start3A_10 = arith.constant 0 : i32
    %dma_start3A_11 = tpu.memref_slice %arg3[%dma_start3A_10] : memref<32002048xf32, #tpu.memory_space<hbm>> -> memref<32002048xf32, #tpu.memory_space<hbm>>
    tpu.enqueue_indirect_dma source(%dma_start3A_11 : memref<32002048xf32, #tpu.memory_space<hbm>>) target(%dma_start3A_7 : memref<512xf32, #tpu.memory_space<vmem>>) offsets(%dma_start3A_9 : memref<512xi32, #tpu.memory_space<vmem>>) semaphore(%arg9 : memref<!tpu.dma_semaphore, #tpu.memory_space<semaphore_mem>>)
    %dma_start3A_12 = arith.constant 512 : i32
    %dma_start3A_13 = tpu.memref_slice %arg7[%dma_start3A_12] : memref<16384xf32, #tpu.memory_space<vmem>> -> memref<512xf32, #tpu.memory_space<vmem>>
    %dma_start3A_14 = arith.constant 512 : i32
    %dma_start3A_15 = tpu.memref_slice %arg6[%dma_start3A_14] : memref<16384xi32, #tpu.memory_space<vmem>> -> memref<512xi32, #tpu.memory_space<vmem>>
    %dma_start3A_16 = arith.constant 0 : i32
    %dma_start3A_17 = tpu.memref_slice %arg3[%dma_start3A_16] : memref<32002048xf32, #tpu.memory_space<hbm>> -> memref<32002048xf32, #tpu.memory_space<hbm>>
    tpu.enqueue_indirect_dma source(%dma_start3A_17 : memref<32002048xf32, #tpu.memory_space<hbm>>) target(%dma_start3A_13 : memref<512xf32, #tpu.memory_space<vmem>>) offsets(%dma_start3A_15 : memref<512xi32, #tpu.memory_space<vmem>>) semaphore(%arg9 : memref<!tpu.dma_semaphore, #tpu.memory_space<semaphore_mem>>)
    %dma_start3A_18 = arith.constant 1024 : i32
    %dma_start3A_19 = tpu.memref_slice %arg7[%dma_start3A_18] : memref<16384xf32, #tpu.memory_space<vmem>> -> memref<512xf32, #tpu.memory_space<vmem>>
    %dma_start3A_20 = arith.constant 1024 : i32
    %dma_start3A_21 = tpu.memref_slice %arg6[%dma_start3A_20] : memref<16384xi32, #tpu.memory_space<vmem>> -> memref<512xi32, #tpu.memory_space<vmem>>
    %dma_start3A_22 = arith.constant 0 : i32
    %dma_start3A_23 = tpu.memref_slice %arg3[%dma_start3A_22] : memref<32002048xf32, #tpu.memory_space<hbm>> -> memref<32002048xf32, #tpu.memory_space<hbm>>
    tpu.enqueue_indirect_dma source(%dma_start3A_23 : memref<32002048xf32, #tpu.memory_space<hbm>>) target(%dma_start3A_19 : memref<512xf32, #tpu.memory_space<vmem>>) offsets(%dma_start3A_21 : memref<512xi32, #tpu.memory_space<vmem>>) semaphore(%arg9 : memref<!tpu.dma_semaphore, #tpu.memory_space<semaphore_mem>>)
    %dma_start3A_24 = arith.constant 1536 : i32
    %dma_start3A_25 = tpu.memref_slice %arg7[%dma_start3A_24] : memref<16384xf32, #tpu.memory_space<vmem>> -> memref<512xf32, #tpu.memory_space<vmem>>
    %dma_start3A_26 = arith.constant 1536 : i32
    %dma_start3A_27 = tpu.memref_slice %arg6[%dma_start3A_26] : memref<16384xi32, #tpu.memory_space<vmem>> -> memref<512xi32, #tpu.memory_space<vmem>>
    %dma_start3A_28 = arith.constant 0 : i32
    %dma_start3A_29 = tpu.memref_slice %arg3[%dma_start3A_28] : memref<32002048xf32, #tpu.memory_space<hbm>> -> memref<32002048xf32, #tpu.memory_space<hbm>>
    tpu.enqueue_indirect_dma source(%dma_start3A_29 : memref<32002048xf32, #tpu.memory_space<hbm>>) target(%dma_start3A_25 : memref<512xf32, #tpu.memory_space<vmem>>) offsets(%dma_start3A_27 : memref<512xi32, #tpu.memory_space<vmem>>) semaphore(%arg9 : memref<!tpu.dma_semaphore, #tpu.memory_space<semaphore_mem>>)
    %dma_start3A_30 = arith.constant 2048 : i32
    %dma_start3A_31 = tpu.memref_slice %arg7[%dma_start3A_30] : memref<16384xf32, #tpu.memory_space<vmem>> -> memref<512xf32, #tpu.memory_space<vmem>>
    %dma_start3A_32 = arith.constant 2048 : i32
    %dma_start3A_33 = tpu.memref_slice %arg6[%dma_start3A_32] : memref<16384xi32, #tpu.memory_space<vmem>> -> memref<512xi32, #tpu.memory_space<vmem>>
    %dma_start3A_34 = arith.constant 0 : i32
    %dma_start3A_35 = tpu.memref_slice %arg3[%dma_start3A_34] : memref<32002048xf32, #tpu.memory_space<hbm>> -> memref<32002048xf32, #tpu.memory_space<hbm>>
    tpu.enqueue_indirect_dma source(%dma_start3A_35 : memref<32002048xf32, #tpu.memory_space<hbm>>) target(%dma_start3A_31 : memref<512xf32, #tpu.memory_space<vmem>>) offsets(%dma_start3A_33 : memref<512xi32, #tpu.memory_space<vmem>>) semaphore(%arg9 : memref<!tpu.dma_semaphore, #tpu.memory_space<semaphore_mem>>)
    %dma_start3A_36 = arith.constant 2560 : i32
    %dma_start3A_37 = tpu.memref_slice %arg7[%dma_start3A_36] : memref<16384xf32, #tpu.memory_space<vmem>> -> memref<512xf32, #tpu.memory_space<vmem>>
    %dma_start3A_38 = arith.constant 2560 : i32
    %dma_start3A_39 = tpu.memref_slice %arg6[%dma_start3A_38] : memref<16384xi32, #tpu.memory_space<vmem>> -> memref<512xi32, #tpu.memory_space<vmem>>
    %dma_start3A_40 = arith.constant 0 : i32
    %dma_start3A_41 = tpu.memref_slice %arg3[%dma_start3A_40] : memref<32002048xf32, #tpu.memory_space<hbm>> -> memref<32002048xf32, #tpu.memory_space<hbm>>
    tpu.enqueue_indirect_dma source(%dma_start3A_41 : memref<32002048xf32, #tpu.memory_space<hbm>>) target(%dma_start3A_37 : memref<512xf32, #tpu.memory_space<vmem>>) offsets(%dma_start3A_39 : memref<512xi32, #tpu.memory_space<vmem>>) semaphore(%arg9 : memref<!tpu.dma_semaphore, #tpu.memory_space<semaphore_mem>>)
    %dma_start3A_42 = arith.constant 3072 : i32
    %dma_start3A_43 = tpu.memref_slice %arg7[%dma_start3A_42] : memref<16384xf32, #tpu.memory_space<vmem>> -> memref<512xf32, #tpu.memory_space<vmem>>
    %dma_start3A_44 = arith.constant 3072 : i32
    %dma_start3A_45 = tpu.memref_slice %arg6[%dma_start3A_44] : memref<16384xi32, #tpu.memory_space<vmem>> -> memref<512xi32, #tpu.memory_space<vmem>>
    %dma_start3A_46 = arith.constant 0 : i32
    %dma_start3A_47 = tpu.memref_slice %arg3[%dma_start3A_46] : memref<32002048xf32, #tpu.memory_space<hbm>> -> memref<32002048xf32, #tpu.memory_space<hbm>>
    tpu.enqueue_indirect_dma source(%dma_start3A_47 : memref<32002048xf32, #tpu.memory_space<hbm>>) target(%dma_start3A_43 : memref<512xf32, #tpu.memory_space<vmem>>) offsets(%dma_start3A_45 : memref<512xi32, #tpu.memory_space<vmem>>) semaphore(%arg9 : memref<!tpu.dma_semaphore, #tpu.memory_space<semaphore_mem>>)
    %dma_start3A_48 = arith.constant 3584 : i32
    %dma_start3A_49 = tpu.memref_slice %arg7[%dma_start3A_48] : memref<16384xf32, #tpu.memory_space<vmem>> -> memref<512xf32, #tpu.memory_space<vmem>>
    %dma_start3A_50 = arith.constant 3584 : i32
    %dma_start3A_51 = tpu.memref_slice %arg6[%dma_start3A_50] : memref<16384xi32, #tpu.memory_space<vmem>> -> memref<512xi32, #tpu.memory_space<vmem>>
    %dma_start3A_52 = arith.constant 0 : i32
    %dma_start3A_53 = tpu.memref_slice %arg3[%dma_start3A_52] : memref<32002048xf32, #tpu.memory_space<hbm>> -> memref<32002048xf32, #tpu.memory_space<hbm>>
    tpu.enqueue_indirect_dma source(%dma_start3A_53 : memref<32002048xf32, #tpu.memory_space<hbm>>) target(%dma_start3A_49 : memref<512xf32, #tpu.memory_space<vmem>>) offsets(%dma_start3A_51 : memref<512xi32, #tpu.memory_space<vmem>>) semaphore(%arg9 : memref<!tpu.dma_semaphore, #tpu.memory_space<semaphore_mem>>)
    %dma_start3A_54 = arith.constant 4096 : i32
    %dma_start3A_55 = tpu.memref_slice %arg7[%dma_start3A_54] : memref<16384xf32, #tpu.memory_space<vmem>> -> memref<512xf32, #tpu.memory_space<vmem>>
    %dma_start3A_56 = arith.constant 4096 : i32
    %dma_start3A_57 = tpu.memref_slice %arg6[%dma_start3A_56] : memref<16384xi32, #tpu.memory_space<vmem>> -> memref<512xi32, #tpu.memory_space<vmem>>
    %dma_start3A_58 = arith.constant 0 : i32
    %dma_start3A_59 = tpu.memref_slice %arg3[%dma_start3A_58] : memref<32002048xf32, #tpu.memory_space<hbm>> -> memref<32002048xf32, #tpu.memory_space<hbm>>
    tpu.enqueue_indirect_dma source(%dma_start3A_59 : memref<32002048xf32, #tpu.memory_space<hbm>>) target(%dma_start3A_55 : memref<512xf32, #tpu.memory_space<vmem>>) offsets(%dma_start3A_57 : memref<512xi32, #tpu.memory_space<vmem>>) semaphore(%arg9 : memref<!tpu.dma_semaphore, #tpu.memory_space<semaphore_mem>>)
    %dma_start3A_60 = arith.constant 4608 : i32
    %dma_start3A_61 = tpu.memref_slice %arg7[%dma_start3A_60] : memref<16384xf32, #tpu.memory_space<vmem>> -> memref<512xf32, #tpu.memory_space<vmem>>
    %dma_start3A_62 = arith.constant 4608 : i32
    %dma_start3A_63 = tpu.memref_slice %arg6[%dma_start3A_62] : memref<16384xi32, #tpu.memory_space<vmem>> -> memref<512xi32, #tpu.memory_space<vmem>>
    %dma_start3A_64 = arith.constant 0 : i32
    %dma_start3A_65 = tpu.memref_slice %arg3[%dma_start3A_64] : memref<32002048xf32, #tpu.memory_space<hbm>> -> memref<32002048xf32, #tpu.memory_space<hbm>>
    tpu.enqueue_indirect_dma source(%dma_start3A_65 : memref<32002048xf32, #tpu.memory_space<hbm>>) target(%dma_start3A_61 : memref<512xf32, #tpu.memory_space<vmem>>) offsets(%dma_start3A_63 : memref<512xi32, #tpu.memory_space<vmem>>) semaphore(%arg9 : memref<!tpu.dma_semaphore, #tpu.memory_space<semaphore_mem>>)
    %dma_start3A_66 = arith.constant 5120 : i32
    %dma_start3A_67 = tpu.memref_slice %arg7[%dma_start3A_66] : memref<16384xf32, #tpu.memory_space<vmem>> -> memref<512xf32, #tpu.memory_space<vmem>>
    %dma_start3A_68 = arith.constant 5120 : i32
    %dma_start3A_69 = tpu.memref_slice %arg6[%dma_start3A_68] : memref<16384xi32, #tpu.memory_space<vmem>> -> memref<512xi32, #tpu.memory_space<vmem>>
    %dma_start3A_70 = arith.constant 0 : i32
    %dma_start3A_71 = tpu.memref_slice %arg3[%dma_start3A_70] : memref<32002048xf32, #tpu.memory_space<hbm>> -> memref<32002048xf32, #tpu.memory_space<hbm>>
    tpu.enqueue_indirect_dma source(%dma_start3A_71 : memref<32002048xf32, #tpu.memory_space<hbm>>) target(%dma_start3A_67 : memref<512xf32, #tpu.memory_space<vmem>>) offsets(%dma_start3A_69 : memref<512xi32, #tpu.memory_space<vmem>>) semaphore(%arg9 : memref<!tpu.dma_semaphore, #tpu.memory_space<semaphore_mem>>)
    %dma_start3A_72 = arith.constant 5632 : i32
    %dma_start3A_73 = tpu.memref_slice %arg7[%dma_start3A_72] : memref<16384xf32, #tpu.memory_space<vmem>> -> memref<512xf32, #tpu.memory_space<vmem>>
    %dma_start3A_74 = arith.constant 5632 : i32
    %dma_start3A_75 = tpu.memref_slice %arg6[%dma_start3A_74] : memref<16384xi32, #tpu.memory_space<vmem>> -> memref<512xi32, #tpu.memory_space<vmem>>
    %dma_start3A_76 = arith.constant 0 : i32
    %dma_start3A_77 = tpu.memref_slice %arg3[%dma_start3A_76] : memref<32002048xf32, #tpu.memory_space<hbm>> -> memref<32002048xf32, #tpu.memory_space<hbm>>
    tpu.enqueue_indirect_dma source(%dma_start3A_77 : memref<32002048xf32, #tpu.memory_space<hbm>>) target(%dma_start3A_73 : memref<512xf32, #tpu.memory_space<vmem>>) offsets(%dma_start3A_75 : memref<512xi32, #tpu.memory_space<vmem>>) semaphore(%arg9 : memref<!tpu.dma_semaphore, #tpu.memory_space<semaphore_mem>>)
    %dma_start3A_78 = arith.constant 6144 : i32
    %dma_start3A_79 = tpu.memref_slice %arg7[%dma_start3A_78] : memref<16384xf32, #tpu.memory_space<vmem>> -> memref<512xf32, #tpu.memory_space<vmem>>
    %dma_start3A_80 = arith.constant 6144 : i32
    %dma_start3A_81 = tpu.memref_slice %arg6[%dma_start3A_80] : memref<16384xi32, #tpu.memory_space<vmem>> -> memref<512xi32, #tpu.memory_space<vmem>>
    %dma_start3A_82 = arith.constant 0 : i32
    %dma_start3A_83 = tpu.memref_slice %arg3[%dma_start3A_82] : memref<32002048xf32, #tpu.memory_space<hbm>> -> memref<32002048xf32, #tpu.memory_space<hbm>>
    tpu.enqueue_indirect_dma source(%dma_start3A_83 : memref<32002048xf32, #tpu.memory_space<hbm>>) target(%dma_start3A_79 : memref<512xf32, #tpu.memory_space<vmem>>) offsets(%dma_start3A_81 : memref<512xi32, #tpu.memory_space<vmem>>) semaphore(%arg9 : memref<!tpu.dma_semaphore, #tpu.memory_space<semaphore_mem>>)
    %dma_start3A_84 = arith.constant 6656 : i32
    %dma_start3A_85 = tpu.memref_slice %arg7[%dma_start3A_84] : memref<16384xf32, #tpu.memory_space<vmem>> -> memref<512xf32, #tpu.memory_space<vmem>>
    %dma_start3A_86 = arith.constant 6656 : i32
    %dma_start3A_87 = tpu.memref_slice %arg6[%dma_start3A_86] : memref<16384xi32, #tpu.memory_space<vmem>> -> memref<512xi32, #tpu.memory_space<vmem>>
    %dma_start3A_88 = arith.constant 0 : i32
    %dma_start3A_89 = tpu.memref_slice %arg3[%dma_start3A_88] : memref<32002048xf32, #tpu.memory_space<hbm>> -> memref<32002048xf32, #tpu.memory_space<hbm>>
    tpu.enqueue_indirect_dma source(%dma_start3A_89 : memref<32002048xf32, #tpu.memory_space<hbm>>) target(%dma_start3A_85 : memref<512xf32, #tpu.memory_space<vmem>>) offsets(%dma_start3A_87 : memref<512xi32, #tpu.memory_space<vmem>>) semaphore(%arg9 : memref<!tpu.dma_semaphore, #tpu.memory_space<semaphore_mem>>)
    %dma_start3A_90 = arith.constant 7168 : i32
    %dma_start3A_91 = tpu.memref_slice %arg7[%dma_start3A_90] : memref<16384xf32, #tpu.memory_space<vmem>> -> memref<512xf32, #tpu.memory_space<vmem>>
    %dma_start3A_92 = arith.constant 7168 : i32
    %dma_start3A_93 = tpu.memref_slice %arg6[%dma_start3A_92] : memref<16384xi32, #tpu.memory_space<vmem>> -> memref<512xi32, #tpu.memory_space<vmem>>
    %dma_start3A_94 = arith.constant 0 : i32
    %dma_start3A_95 = tpu.memref_slice %arg3[%dma_start3A_94] : memref<32002048xf32, #tpu.memory_space<hbm>> -> memref<32002048xf32, #tpu.memory_space<hbm>>
    tpu.enqueue_indirect_dma source(%dma_start3A_95 : memref<32002048xf32, #tpu.memory_space<hbm>>) target(%dma_start3A_91 : memref<512xf32, #tpu.memory_space<vmem>>) offsets(%dma_start3A_93 : memref<512xi32, #tpu.memory_space<vmem>>) semaphore(%arg9 : memref<!tpu.dma_semaphore, #tpu.memory_space<semaphore_mem>>)
    %dma_start3A_96 = arith.constant 7680 : i32
    %dma_start3A_97 = tpu.memref_slice %arg7[%dma_start3A_96] : memref<16384xf32, #tpu.memory_space<vmem>> -> memref<512xf32, #tpu.memory_space<vmem>>
    %dma_start3A_98 = arith.constant 7680 : i32
    %dma_start3A_99 = tpu.memref_slice %arg6[%dma_start3A_98] : memref<16384xi32, #tpu.memory_space<vmem>> -> memref<512xi32, #tpu.memory_space<vmem>>
    %dma_start3A_100 = arith.constant 0 : i32
    %dma_start3A_101 = tpu.memref_slice %arg3[%dma_start3A_100] : memref<32002048xf32, #tpu.memory_space<hbm>> -> memref<32002048xf32, #tpu.memory_space<hbm>>
    tpu.enqueue_indirect_dma source(%dma_start3A_101 : memref<32002048xf32, #tpu.memory_space<hbm>>) target(%dma_start3A_97 : memref<512xf32, #tpu.memory_space<vmem>>) offsets(%dma_start3A_99 : memref<512xi32, #tpu.memory_space<vmem>>) semaphore(%arg9 : memref<!tpu.dma_semaphore, #tpu.memory_space<semaphore_mem>>)
    %dma_start3A_102 = arith.constant 8192 : i32
    %dma_start3A_103 = tpu.memref_slice %arg7[%dma_start3A_102] : memref<16384xf32, #tpu.memory_space<vmem>> -> memref<512xf32, #tpu.memory_space<vmem>>
    %dma_start3A_104 = arith.constant 8192 : i32
    %dma_start3A_105 = tpu.memref_slice %arg6[%dma_start3A_104] : memref<16384xi32, #tpu.memory_space<vmem>> -> memref<512xi32, #tpu.memory_space<vmem>>
    %dma_start3A_106 = arith.constant 0 : i32
    %dma_start3A_107 = tpu.memref_slice %arg3[%dma_start3A_106] : memref<32002048xf32, #tpu.memory_space<hbm>> -> memref<32002048xf32, #tpu.memory_space<hbm>>
    tpu.enqueue_indirect_dma source(%dma_start3A_107 : memref<32002048xf32, #tpu.memory_space<hbm>>) target(%dma_start3A_103 : memref<512xf32, #tpu.memory_space<vmem>>) offsets(%dma_start3A_105 : memref<512xi32, #tpu.memory_space<vmem>>) semaphore(%arg9 : memref<!tpu.dma_semaphore, #tpu.memory_space<semaphore_mem>>)
    %dma_start3A_108 = arith.constant 8704 : i32
    %dma_start3A_109 = tpu.memref_slice %arg7[%dma_start3A_108] : memref<16384xf32, #tpu.memory_space<vmem>> -> memref<512xf32, #tpu.memory_space<vmem>>
    %dma_start3A_110 = arith.constant 8704 : i32
    %dma_start3A_111 = tpu.memref_slice %arg6[%dma_start3A_110] : memref<16384xi32, #tpu.memory_space<vmem>> -> memref<512xi32, #tpu.memory_space<vmem>>
    %dma_start3A_112 = arith.constant 0 : i32
    %dma_start3A_113 = tpu.memref_slice %arg3[%dma_start3A_112] : memref<32002048xf32, #tpu.memory_space<hbm>> -> memref<32002048xf32, #tpu.memory_space<hbm>>
    tpu.enqueue_indirect_dma source(%dma_start3A_113 : memref<32002048xf32, #tpu.memory_space<hbm>>) target(%dma_start3A_109 : memref<512xf32, #tpu.memory_space<vmem>>) offsets(%dma_start3A_111 : memref<512xi32, #tpu.memory_space<vmem>>) semaphore(%arg9 : memref<!tpu.dma_semaphore, #tpu.memory_space<semaphore_mem>>)
    %dma_start3A_114 = arith.constant 9216 : i32
    %dma_start3A_115 = tpu.memref_slice %arg7[%dma_start3A_114] : memref<16384xf32, #tpu.memory_space<vmem>> -> memref<512xf32, #tpu.memory_space<vmem>>
    %dma_start3A_116 = arith.constant 9216 : i32
    %dma_start3A_117 = tpu.memref_slice %arg6[%dma_start3A_116] : memref<16384xi32, #tpu.memory_space<vmem>> -> memref<512xi32, #tpu.memory_space<vmem>>
    %dma_start3A_118 = arith.constant 0 : i32
    %dma_start3A_119 = tpu.memref_slice %arg3[%dma_start3A_118] : memref<32002048xf32, #tpu.memory_space<hbm>> -> memref<32002048xf32, #tpu.memory_space<hbm>>
    tpu.enqueue_indirect_dma source(%dma_start3A_119 : memref<32002048xf32, #tpu.memory_space<hbm>>) target(%dma_start3A_115 : memref<512xf32, #tpu.memory_space<vmem>>) offsets(%dma_start3A_117 : memref<512xi32, #tpu.memory_space<vmem>>) semaphore(%arg9 : memref<!tpu.dma_semaphore, #tpu.memory_space<semaphore_mem>>)
    %dma_start3A_120 = arith.constant 9728 : i32
    %dma_start3A_121 = tpu.memref_slice %arg7[%dma_start3A_120] : memref<16384xf32, #tpu.memory_space<vmem>> -> memref<512xf32, #tpu.memory_space<vmem>>
    %dma_start3A_122 = arith.constant 9728 : i32
    %dma_start3A_123 = tpu.memref_slice %arg6[%dma_start3A_122] : memref<16384xi32, #tpu.memory_space<vmem>> -> memref<512xi32, #tpu.memory_space<vmem>>
    %dma_start3A_124 = arith.constant 0 : i32
    %dma_start3A_125 = tpu.memref_slice %arg3[%dma_start3A_124] : memref<32002048xf32, #tpu.memory_space<hbm>> -> memref<32002048xf32, #tpu.memory_space<hbm>>
    tpu.enqueue_indirect_dma source(%dma_start3A_125 : memref<32002048xf32, #tpu.memory_space<hbm>>) target(%dma_start3A_121 : memref<512xf32, #tpu.memory_space<vmem>>) offsets(%dma_start3A_123 : memref<512xi32, #tpu.memory_space<vmem>>) semaphore(%arg9 : memref<!tpu.dma_semaphore, #tpu.memory_space<semaphore_mem>>)
    %dma_start3A_126 = arith.constant 10240 : i32
    %dma_start3A_127 = tpu.memref_slice %arg7[%dma_start3A_126] : memref<16384xf32, #tpu.memory_space<vmem>> -> memref<512xf32, #tpu.memory_space<vmem>>
    %dma_start3A_128 = arith.constant 10240 : i32
    %dma_start3A_129 = tpu.memref_slice %arg6[%dma_start3A_128] : memref<16384xi32, #tpu.memory_space<vmem>> -> memref<512xi32, #tpu.memory_space<vmem>>
    %dma_start3A_130 = arith.constant 0 : i32
    %dma_start3A_131 = tpu.memref_slice %arg3[%dma_start3A_130] : memref<32002048xf32, #tpu.memory_space<hbm>> -> memref<32002048xf32, #tpu.memory_space<hbm>>
    tpu.enqueue_indirect_dma source(%dma_start3A_131 : memref<32002048xf32, #tpu.memory_space<hbm>>) target(%dma_start3A_127 : memref<512xf32, #tpu.memory_space<vmem>>) offsets(%dma_start3A_129 : memref<512xi32, #tpu.memory_space<vmem>>) semaphore(%arg9 : memref<!tpu.dma_semaphore, #tpu.memory_space<semaphore_mem>>)
    %dma_start3A_132 = arith.constant 10752 : i32
    %dma_start3A_133 = tpu.memref_slice %arg7[%dma_start3A_132] : memref<16384xf32, #tpu.memory_space<vmem>> -> memref<512xf32, #tpu.memory_space<vmem>>
    %dma_start3A_134 = arith.constant 10752 : i32
    %dma_start3A_135 = tpu.memref_slice %arg6[%dma_start3A_134] : memref<16384xi32, #tpu.memory_space<vmem>> -> memref<512xi32, #tpu.memory_space<vmem>>
    %dma_start3A_136 = arith.constant 0 : i32
    %dma_start3A_137 = tpu.memref_slice %arg3[%dma_start3A_136] : memref<32002048xf32, #tpu.memory_space<hbm>> -> memref<32002048xf32, #tpu.memory_space<hbm>>
    tpu.enqueue_indirect_dma source(%dma_start3A_137 : memref<32002048xf32, #tpu.memory_space<hbm>>) target(%dma_start3A_133 : memref<512xf32, #tpu.memory_space<vmem>>) offsets(%dma_start3A_135 : memref<512xi32, #tpu.memory_space<vmem>>) semaphore(%arg9 : memref<!tpu.dma_semaphore, #tpu.memory_space<semaphore_mem>>)
    %dma_start3A_138 = arith.constant 11264 : i32
    %dma_start3A_139 = tpu.memref_slice %arg7[%dma_start3A_138] : memref<16384xf32, #tpu.memory_space<vmem>> -> memref<512xf32, #tpu.memory_space<vmem>>
    %dma_start3A_140 = arith.constant 11264 : i32
    %dma_start3A_141 = tpu.memref_slice %arg6[%dma_start3A_140] : memref<16384xi32, #tpu.memory_space<vmem>> -> memref<512xi32, #tpu.memory_space<vmem>>
    %dma_start3A_142 = arith.constant 0 : i32
    %dma_start3A_143 = tpu.memref_slice %arg3[%dma_start3A_142] : memref<32002048xf32, #tpu.memory_space<hbm>> -> memref<32002048xf32, #tpu.memory_space<hbm>>
    tpu.enqueue_indirect_dma source(%dma_start3A_143 : memref<32002048xf32, #tpu.memory_space<hbm>>) target(%dma_start3A_139 : memref<512xf32, #tpu.memory_space<vmem>>) offsets(%dma_start3A_141 : memref<512xi32, #tpu.memory_space<vmem>>) semaphore(%arg9 : memref<!tpu.dma_semaphore, #tpu.memory_space<semaphore_mem>>)
    %dma_start3A_144 = arith.constant 11776 : i32
    %dma_start3A_145 = tpu.memref_slice %arg7[%dma_start3A_144] : memref<16384xf32, #tpu.memory_space<vmem>> -> memref<512xf32, #tpu.memory_space<vmem>>
    %dma_start3A_146 = arith.constant 11776 : i32
    %dma_start3A_147 = tpu.memref_slice %arg6[%dma_start3A_146] : memref<16384xi32, #tpu.memory_space<vmem>> -> memref<512xi32, #tpu.memory_space<vmem>>
    %dma_start3A_148 = arith.constant 0 : i32
    %dma_start3A_149 = tpu.memref_slice %arg3[%dma_start3A_148] : memref<32002048xf32, #tpu.memory_space<hbm>> -> memref<32002048xf32, #tpu.memory_space<hbm>>
    tpu.enqueue_indirect_dma source(%dma_start3A_149 : memref<32002048xf32, #tpu.memory_space<hbm>>) target(%dma_start3A_145 : memref<512xf32, #tpu.memory_space<vmem>>) offsets(%dma_start3A_147 : memref<512xi32, #tpu.memory_space<vmem>>) semaphore(%arg9 : memref<!tpu.dma_semaphore, #tpu.memory_space<semaphore_mem>>)
    %dma_start3A_150 = arith.constant 12288 : i32
    %dma_start3A_151 = tpu.memref_slice %arg7[%dma_start3A_150] : memref<16384xf32, #tpu.memory_space<vmem>> -> memref<512xf32, #tpu.memory_space<vmem>>
    %dma_start3A_152 = arith.constant 12288 : i32
    %dma_start3A_153 = tpu.memref_slice %arg6[%dma_start3A_152] : memref<16384xi32, #tpu.memory_space<vmem>> -> memref<512xi32, #tpu.memory_space<vmem>>
    %dma_start3A_154 = arith.constant 0 : i32
    %dma_start3A_155 = tpu.memref_slice %arg3[%dma_start3A_154] : memref<32002048xf32, #tpu.memory_space<hbm>> -> memref<32002048xf32, #tpu.memory_space<hbm>>
    tpu.enqueue_indirect_dma source(%dma_start3A_155 : memref<32002048xf32, #tpu.memory_space<hbm>>) target(%dma_start3A_151 : memref<512xf32, #tpu.memory_space<vmem>>) offsets(%dma_start3A_153 : memref<512xi32, #tpu.memory_space<vmem>>) semaphore(%arg9 : memref<!tpu.dma_semaphore, #tpu.memory_space<semaphore_mem>>)
    %dma_start3A_156 = arith.constant 12800 : i32
    %dma_start3A_157 = tpu.memref_slice %arg7[%dma_start3A_156] : memref<16384xf32, #tpu.memory_space<vmem>> -> memref<512xf32, #tpu.memory_space<vmem>>
    %dma_start3A_158 = arith.constant 12800 : i32
    %dma_start3A_159 = tpu.memref_slice %arg6[%dma_start3A_158] : memref<16384xi32, #tpu.memory_space<vmem>> -> memref<512xi32, #tpu.memory_space<vmem>>
    %dma_start3A_160 = arith.constant 0 : i32
    %dma_start3A_161 = tpu.memref_slice %arg3[%dma_start3A_160] : memref<32002048xf32, #tpu.memory_space<hbm>> -> memref<32002048xf32, #tpu.memory_space<hbm>>
    tpu.enqueue_indirect_dma source(%dma_start3A_161 : memref<32002048xf32, #tpu.memory_space<hbm>>) target(%dma_start3A_157 : memref<512xf32, #tpu.memory_space<vmem>>) offsets(%dma_start3A_159 : memref<512xi32, #tpu.memory_space<vmem>>) semaphore(%arg9 : memref<!tpu.dma_semaphore, #tpu.memory_space<semaphore_mem>>)
    %dma_start3A_162 = arith.constant 13312 : i32
    %dma_start3A_163 = tpu.memref_slice %arg7[%dma_start3A_162] : memref<16384xf32, #tpu.memory_space<vmem>> -> memref<512xf32, #tpu.memory_space<vmem>>
    %dma_start3A_164 = arith.constant 13312 : i32
    %dma_start3A_165 = tpu.memref_slice %arg6[%dma_start3A_164] : memref<16384xi32, #tpu.memory_space<vmem>> -> memref<512xi32, #tpu.memory_space<vmem>>
    %dma_start3A_166 = arith.constant 0 : i32
    %dma_start3A_167 = tpu.memref_slice %arg3[%dma_start3A_166] : memref<32002048xf32, #tpu.memory_space<hbm>> -> memref<32002048xf32, #tpu.memory_space<hbm>>
    tpu.enqueue_indirect_dma source(%dma_start3A_167 : memref<32002048xf32, #tpu.memory_space<hbm>>) target(%dma_start3A_163 : memref<512xf32, #tpu.memory_space<vmem>>) offsets(%dma_start3A_165 : memref<512xi32, #tpu.memory_space<vmem>>) semaphore(%arg9 : memref<!tpu.dma_semaphore, #tpu.memory_space<semaphore_mem>>)
    %dma_start3A_168 = arith.constant 13824 : i32
    %dma_start3A_169 = tpu.memref_slice %arg7[%dma_start3A_168] : memref<16384xf32, #tpu.memory_space<vmem>> -> memref<512xf32, #tpu.memory_space<vmem>>
    %dma_start3A_170 = arith.constant 13824 : i32
    %dma_start3A_171 = tpu.memref_slice %arg6[%dma_start3A_170] : memref<16384xi32, #tpu.memory_space<vmem>> -> memref<512xi32, #tpu.memory_space<vmem>>
    %dma_start3A_172 = arith.constant 0 : i32
    %dma_start3A_173 = tpu.memref_slice %arg3[%dma_start3A_172] : memref<32002048xf32, #tpu.memory_space<hbm>> -> memref<32002048xf32, #tpu.memory_space<hbm>>
    tpu.enqueue_indirect_dma source(%dma_start3A_173 : memref<32002048xf32, #tpu.memory_space<hbm>>) target(%dma_start3A_169 : memref<512xf32, #tpu.memory_space<vmem>>) offsets(%dma_start3A_171 : memref<512xi32, #tpu.memory_space<vmem>>) semaphore(%arg9 : memref<!tpu.dma_semaphore, #tpu.memory_space<semaphore_mem>>)
    %dma_start3A_174 = arith.constant 14336 : i32
    %dma_start3A_175 = tpu.memref_slice %arg7[%dma_start3A_174] : memref<16384xf32, #tpu.memory_space<vmem>> -> memref<512xf32, #tpu.memory_space<vmem>>
    %dma_start3A_176 = arith.constant 14336 : i32
    %dma_start3A_177 = tpu.memref_slice %arg6[%dma_start3A_176] : memref<16384xi32, #tpu.memory_space<vmem>> -> memref<512xi32, #tpu.memory_space<vmem>>
    %dma_start3A_178 = arith.constant 0 : i32
    %dma_start3A_179 = tpu.memref_slice %arg3[%dma_start3A_178] : memref<32002048xf32, #tpu.memory_space<hbm>> -> memref<32002048xf32, #tpu.memory_space<hbm>>
    tpu.enqueue_indirect_dma source(%dma_start3A_179 : memref<32002048xf32, #tpu.memory_space<hbm>>) target(%dma_start3A_175 : memref<512xf32, #tpu.memory_space<vmem>>) offsets(%dma_start3A_177 : memref<512xi32, #tpu.memory_space<vmem>>) semaphore(%arg9 : memref<!tpu.dma_semaphore, #tpu.memory_space<semaphore_mem>>)
    %dma_start3A_180 = arith.constant 14848 : i32
    %dma_start3A_181 = tpu.memref_slice %arg7[%dma_start3A_180] : memref<16384xf32, #tpu.memory_space<vmem>> -> memref<512xf32, #tpu.memory_space<vmem>>
    %dma_start3A_182 = arith.constant 14848 : i32
    %dma_start3A_183 = tpu.memref_slice %arg6[%dma_start3A_182] : memref<16384xi32, #tpu.memory_space<vmem>> -> memref<512xi32, #tpu.memory_space<vmem>>
    %dma_start3A_184 = arith.constant 0 : i32
    %dma_start3A_185 = tpu.memref_slice %arg3[%dma_start3A_184] : memref<32002048xf32, #tpu.memory_space<hbm>> -> memref<32002048xf32, #tpu.memory_space<hbm>>
    tpu.enqueue_indirect_dma source(%dma_start3A_185 : memref<32002048xf32, #tpu.memory_space<hbm>>) target(%dma_start3A_181 : memref<512xf32, #tpu.memory_space<vmem>>) offsets(%dma_start3A_183 : memref<512xi32, #tpu.memory_space<vmem>>) semaphore(%arg9 : memref<!tpu.dma_semaphore, #tpu.memory_space<semaphore_mem>>)
    %dma_start3A_186 = arith.constant 15360 : i32
    %dma_start3A_187 = tpu.memref_slice %arg7[%dma_start3A_186] : memref<16384xf32, #tpu.memory_space<vmem>> -> memref<512xf32, #tpu.memory_space<vmem>>
    %dma_start3A_188 = arith.constant 15360 : i32
    %dma_start3A_189 = tpu.memref_slice %arg6[%dma_start3A_188] : memref<16384xi32, #tpu.memory_space<vmem>> -> memref<512xi32, #tpu.memory_space<vmem>>
    %dma_start3A_190 = arith.constant 0 : i32
    %dma_start3A_191 = tpu.memref_slice %arg3[%dma_start3A_190] : memref<32002048xf32, #tpu.memory_space<hbm>> -> memref<32002048xf32, #tpu.memory_space<hbm>>
    tpu.enqueue_indirect_dma source(%dma_start3A_191 : memref<32002048xf32, #tpu.memory_space<hbm>>) target(%dma_start3A_187 : memref<512xf32, #tpu.memory_space<vmem>>) offsets(%dma_start3A_189 : memref<512xi32, #tpu.memory_space<vmem>>) semaphore(%arg9 : memref<!tpu.dma_semaphore, #tpu.memory_space<semaphore_mem>>)
    %dma_start3A_192 = arith.constant 15872 : i32
    %dma_start3A_193 = tpu.memref_slice %arg7[%dma_start3A_192] : memref<16384xf32, #tpu.memory_space<vmem>> -> memref<512xf32, #tpu.memory_space<vmem>>
    %dma_start3A_194 = arith.constant 15872 : i32
    %dma_start3A_195 = tpu.memref_slice %arg6[%dma_start3A_194] : memref<16384xi32, #tpu.memory_space<vmem>> -> memref<512xi32, #tpu.memory_space<vmem>>
    %dma_start3A_196 = arith.constant 0 : i32
    %dma_start3A_197 = tpu.memref_slice %arg3[%dma_start3A_196] : memref<32002048xf32, #tpu.memory_space<hbm>> -> memref<32002048xf32, #tpu.memory_space<hbm>>
    tpu.enqueue_indirect_dma source(%dma_start3A_197 : memref<32002048xf32, #tpu.memory_space<hbm>>) target(%dma_start3A_193 : memref<512xf32, #tpu.memory_space<vmem>>) offsets(%dma_start3A_195 : memref<512xi32, #tpu.memory_space<vmem>>) semaphore(%arg9 : memref<!tpu.dma_semaphore, #tpu.memory_space<semaphore_mem>>)
    %dma_wait3A = arith.constant 0 : i32
    %dma_wait3A_198 = tpu.memref_slice %arg7[%dma_wait3A] : memref<16384xf32, #tpu.memory_space<vmem>> -> memref<512xf32, #tpu.memory_space<vmem>>
    %dma_wait3A_199 = arith.constant 0 : i32
    %dma_wait3A_200 = tpu.memref_slice %arg6[%dma_wait3A_199] : memref<16384xi32, #tpu.memory_space<vmem>> -> memref<512xi32, #tpu.memory_space<vmem>>
    %dma_wait3A_201 = arith.constant 0 : i32
    %dma_wait3A_202 = tpu.memref_slice %arg3[%dma_wait3A_201] : memref<32002048xf32, #tpu.memory_space<hbm>> -> memref<32002048xf32, #tpu.memory_space<hbm>>
    tpu.wait_indirect_dma semaphore(%arg9 : memref<!tpu.dma_semaphore, #tpu.memory_space<semaphore_mem>>) src(%dma_wait3A_202 : memref<32002048xf32, #tpu.memory_space<hbm>>) dst(%dma_wait3A_198 : memref<512xf32, #tpu.memory_space<vmem>>)
    %dma_wait3A_203 = arith.constant 512 : i32
    %dma_wait3A_204 = tpu.memref_slice %arg7[%dma_wait3A_203] : memref<16384xf32, #tpu.memory_space<vmem>> -> memref<512xf32, #tpu.memory_space<vmem>>
    %dma_wait3A_205 = arith.constant 512 : i32
    %dma_wait3A_206 = tpu.memref_slice %arg6[%dma_wait3A_205] : memref<16384xi32, #tpu.memory_space<vmem>> -> memref<512xi32, #tpu.memory_space<vmem>>
    %dma_wait3A_207 = arith.constant 0 : i32
    %dma_wait3A_208 = tpu.memref_slice %arg3[%dma_wait3A_207] : memref<32002048xf32, #tpu.memory_space<hbm>> -> memref<32002048xf32, #tpu.memory_space<hbm>>
    tpu.wait_indirect_dma semaphore(%arg9 : memref<!tpu.dma_semaphore, #tpu.memory_space<semaphore_mem>>) src(%dma_wait3A_208 : memref<32002048xf32, #tpu.memory_space<hbm>>) dst(%dma_wait3A_204 : memref<512xf32, #tpu.memory_space<vmem>>)
    %dma_wait3A_209 = arith.constant 1024 : i32
    %dma_wait3A_210 = tpu.memref_slice %arg7[%dma_wait3A_209] : memref<16384xf32, #tpu.memory_space<vmem>> -> memref<512xf32, #tpu.memory_space<vmem>>
    %dma_wait3A_211 = arith.constant 1024 : i32
    %dma_wait3A_212 = tpu.memref_slice %arg6[%dma_wait3A_211] : memref<16384xi32, #tpu.memory_space<vmem>> -> memref<512xi32, #tpu.memory_space<vmem>>
    %dma_wait3A_213 = arith.constant 0 : i32
    %dma_wait3A_214 = tpu.memref_slice %arg3[%dma_wait3A_213] : memref<32002048xf32, #tpu.memory_space<hbm>> -> memref<32002048xf32, #tpu.memory_space<hbm>>
    tpu.wait_indirect_dma semaphore(%arg9 : memref<!tpu.dma_semaphore, #tpu.memory_space<semaphore_mem>>) src(%dma_wait3A_214 : memref<32002048xf32, #tpu.memory_space<hbm>>) dst(%dma_wait3A_210 : memref<512xf32, #tpu.memory_space<vmem>>)
    %dma_wait3A_215 = arith.constant 1536 : i32
    %dma_wait3A_216 = tpu.memref_slice %arg7[%dma_wait3A_215] : memref<16384xf32, #tpu.memory_space<vmem>> -> memref<512xf32, #tpu.memory_space<vmem>>
    %dma_wait3A_217 = arith.constant 1536 : i32
    %dma_wait3A_218 = tpu.memref_slice %arg6[%dma_wait3A_217] : memref<16384xi32, #tpu.memory_space<vmem>> -> memref<512xi32, #tpu.memory_space<vmem>>
    %dma_wait3A_219 = arith.constant 0 : i32
    %dma_wait3A_220 = tpu.memref_slice %arg3[%dma_wait3A_219] : memref<32002048xf32, #tpu.memory_space<hbm>> -> memref<32002048xf32, #tpu.memory_space<hbm>>
    tpu.wait_indirect_dma semaphore(%arg9 : memref<!tpu.dma_semaphore, #tpu.memory_space<semaphore_mem>>) src(%dma_wait3A_220 : memref<32002048xf32, #tpu.memory_space<hbm>>) dst(%dma_wait3A_216 : memref<512xf32, #tpu.memory_space<vmem>>)
    %dma_wait3A_221 = arith.constant 2048 : i32
    %dma_wait3A_222 = tpu.memref_slice %arg7[%dma_wait3A_221] : memref<16384xf32, #tpu.memory_space<vmem>> -> memref<512xf32, #tpu.memory_space<vmem>>
    %dma_wait3A_223 = arith.constant 2048 : i32
    %dma_wait3A_224 = tpu.memref_slice %arg6[%dma_wait3A_223] : memref<16384xi32, #tpu.memory_space<vmem>> -> memref<512xi32, #tpu.memory_space<vmem>>
    %dma_wait3A_225 = arith.constant 0 : i32
    %dma_wait3A_226 = tpu.memref_slice %arg3[%dma_wait3A_225] : memref<32002048xf32, #tpu.memory_space<hbm>> -> memref<32002048xf32, #tpu.memory_space<hbm>>
    tpu.wait_indirect_dma semaphore(%arg9 : memref<!tpu.dma_semaphore, #tpu.memory_space<semaphore_mem>>) src(%dma_wait3A_226 : memref<32002048xf32, #tpu.memory_space<hbm>>) dst(%dma_wait3A_222 : memref<512xf32, #tpu.memory_space<vmem>>)
    %dma_wait3A_227 = arith.constant 2560 : i32
    %dma_wait3A_228 = tpu.memref_slice %arg7[%dma_wait3A_227] : memref<16384xf32, #tpu.memory_space<vmem>> -> memref<512xf32, #tpu.memory_space<vmem>>
    %dma_wait3A_229 = arith.constant 2560 : i32
    %dma_wait3A_230 = tpu.memref_slice %arg6[%dma_wait3A_229] : memref<16384xi32, #tpu.memory_space<vmem>> -> memref<512xi32, #tpu.memory_space<vmem>>
    %dma_wait3A_231 = arith.constant 0 : i32
    %dma_wait3A_232 = tpu.memref_slice %arg3[%dma_wait3A_231] : memref<32002048xf32, #tpu.memory_space<hbm>> -> memref<32002048xf32, #tpu.memory_space<hbm>>
    tpu.wait_indirect_dma semaphore(%arg9 : memref<!tpu.dma_semaphore, #tpu.memory_space<semaphore_mem>>) src(%dma_wait3A_232 : memref<32002048xf32, #tpu.memory_space<hbm>>) dst(%dma_wait3A_228 : memref<512xf32, #tpu.memory_space<vmem>>)
    %dma_wait3A_233 = arith.constant 3072 : i32
    %dma_wait3A_234 = tpu.memref_slice %arg7[%dma_wait3A_233] : memref<16384xf32, #tpu.memory_space<vmem>> -> memref<512xf32, #tpu.memory_space<vmem>>
    %dma_wait3A_235 = arith.constant 3072 : i32
    %dma_wait3A_236 = tpu.memref_slice %arg6[%dma_wait3A_235] : memref<16384xi32, #tpu.memory_space<vmem>> -> memref<512xi32, #tpu.memory_space<vmem>>
    %dma_wait3A_237 = arith.constant 0 : i32
    %dma_wait3A_238 = tpu.memref_slice %arg3[%dma_wait3A_237] : memref<32002048xf32, #tpu.memory_space<hbm>> -> memref<32002048xf32, #tpu.memory_space<hbm>>
    tpu.wait_indirect_dma semaphore(%arg9 : memref<!tpu.dma_semaphore, #tpu.memory_space<semaphore_mem>>) src(%dma_wait3A_238 : memref<32002048xf32, #tpu.memory_space<hbm>>) dst(%dma_wait3A_234 : memref<512xf32, #tpu.memory_space<vmem>>)
    %dma_wait3A_239 = arith.constant 3584 : i32
    %dma_wait3A_240 = tpu.memref_slice %arg7[%dma_wait3A_239] : memref<16384xf32, #tpu.memory_space<vmem>> -> memref<512xf32, #tpu.memory_space<vmem>>
    %dma_wait3A_241 = arith.constant 3584 : i32
    %dma_wait3A_242 = tpu.memref_slice %arg6[%dma_wait3A_241] : memref<16384xi32, #tpu.memory_space<vmem>> -> memref<512xi32, #tpu.memory_space<vmem>>
    %dma_wait3A_243 = arith.constant 0 : i32
    %dma_wait3A_244 = tpu.memref_slice %arg3[%dma_wait3A_243] : memref<32002048xf32, #tpu.memory_space<hbm>> -> memref<32002048xf32, #tpu.memory_space<hbm>>
    tpu.wait_indirect_dma semaphore(%arg9 : memref<!tpu.dma_semaphore, #tpu.memory_space<semaphore_mem>>) src(%dma_wait3A_244 : memref<32002048xf32, #tpu.memory_space<hbm>>) dst(%dma_wait3A_240 : memref<512xf32, #tpu.memory_space<vmem>>)
    %dma_wait3A_245 = arith.constant 4096 : i32
    %dma_wait3A_246 = tpu.memref_slice %arg7[%dma_wait3A_245] : memref<16384xf32, #tpu.memory_space<vmem>> -> memref<512xf32, #tpu.memory_space<vmem>>
    %dma_wait3A_247 = arith.constant 4096 : i32
    %dma_wait3A_248 = tpu.memref_slice %arg6[%dma_wait3A_247] : memref<16384xi32, #tpu.memory_space<vmem>> -> memref<512xi32, #tpu.memory_space<vmem>>
    %dma_wait3A_249 = arith.constant 0 : i32
    %dma_wait3A_250 = tpu.memref_slice %arg3[%dma_wait3A_249] : memref<32002048xf32, #tpu.memory_space<hbm>> -> memref<32002048xf32, #tpu.memory_space<hbm>>
    tpu.wait_indirect_dma semaphore(%arg9 : memref<!tpu.dma_semaphore, #tpu.memory_space<semaphore_mem>>) src(%dma_wait3A_250 : memref<32002048xf32, #tpu.memory_space<hbm>>) dst(%dma_wait3A_246 : memref<512xf32, #tpu.memory_space<vmem>>)
    %dma_wait3A_251 = arith.constant 4608 : i32
    %dma_wait3A_252 = tpu.memref_slice %arg7[%dma_wait3A_251] : memref<16384xf32, #tpu.memory_space<vmem>> -> memref<512xf32, #tpu.memory_space<vmem>>
    %dma_wait3A_253 = arith.constant 4608 : i32
    %dma_wait3A_254 = tpu.memref_slice %arg6[%dma_wait3A_253] : memref<16384xi32, #tpu.memory_space<vmem>> -> memref<512xi32, #tpu.memory_space<vmem>>
    %dma_wait3A_255 = arith.constant 0 : i32
    %dma_wait3A_256 = tpu.memref_slice %arg3[%dma_wait3A_255] : memref<32002048xf32, #tpu.memory_space<hbm>> -> memref<32002048xf32, #tpu.memory_space<hbm>>
    tpu.wait_indirect_dma semaphore(%arg9 : memref<!tpu.dma_semaphore, #tpu.memory_space<semaphore_mem>>) src(%dma_wait3A_256 : memref<32002048xf32, #tpu.memory_space<hbm>>) dst(%dma_wait3A_252 : memref<512xf32, #tpu.memory_space<vmem>>)
    %dma_wait3A_257 = arith.constant 5120 : i32
    %dma_wait3A_258 = tpu.memref_slice %arg7[%dma_wait3A_257] : memref<16384xf32, #tpu.memory_space<vmem>> -> memref<512xf32, #tpu.memory_space<vmem>>
    %dma_wait3A_259 = arith.constant 5120 : i32
    %dma_wait3A_260 = tpu.memref_slice %arg6[%dma_wait3A_259] : memref<16384xi32, #tpu.memory_space<vmem>> -> memref<512xi32, #tpu.memory_space<vmem>>
    %dma_wait3A_261 = arith.constant 0 : i32
    %dma_wait3A_262 = tpu.memref_slice %arg3[%dma_wait3A_261] : memref<32002048xf32, #tpu.memory_space<hbm>> -> memref<32002048xf32, #tpu.memory_space<hbm>>
    tpu.wait_indirect_dma semaphore(%arg9 : memref<!tpu.dma_semaphore, #tpu.memory_space<semaphore_mem>>) src(%dma_wait3A_262 : memref<32002048xf32, #tpu.memory_space<hbm>>) dst(%dma_wait3A_258 : memref<512xf32, #tpu.memory_space<vmem>>)
    %dma_wait3A_263 = arith.constant 5632 : i32
    %dma_wait3A_264 = tpu.memref_slice %arg7[%dma_wait3A_263] : memref<16384xf32, #tpu.memory_space<vmem>> -> memref<512xf32, #tpu.memory_space<vmem>>
    %dma_wait3A_265 = arith.constant 5632 : i32
    %dma_wait3A_266 = tpu.memref_slice %arg6[%dma_wait3A_265] : memref<16384xi32, #tpu.memory_space<vmem>> -> memref<512xi32, #tpu.memory_space<vmem>>
    %dma_wait3A_267 = arith.constant 0 : i32
    %dma_wait3A_268 = tpu.memref_slice %arg3[%dma_wait3A_267] : memref<32002048xf32, #tpu.memory_space<hbm>> -> memref<32002048xf32, #tpu.memory_space<hbm>>
    tpu.wait_indirect_dma semaphore(%arg9 : memref<!tpu.dma_semaphore, #tpu.memory_space<semaphore_mem>>) src(%dma_wait3A_268 : memref<32002048xf32, #tpu.memory_space<hbm>>) dst(%dma_wait3A_264 : memref<512xf32, #tpu.memory_space<vmem>>)
    %dma_wait3A_269 = arith.constant 6144 : i32
    %dma_wait3A_270 = tpu.memref_slice %arg7[%dma_wait3A_269] : memref<16384xf32, #tpu.memory_space<vmem>> -> memref<512xf32, #tpu.memory_space<vmem>>
    %dma_wait3A_271 = arith.constant 6144 : i32
    %dma_wait3A_272 = tpu.memref_slice %arg6[%dma_wait3A_271] : memref<16384xi32, #tpu.memory_space<vmem>> -> memref<512xi32, #tpu.memory_space<vmem>>
    %dma_wait3A_273 = arith.constant 0 : i32
    %dma_wait3A_274 = tpu.memref_slice %arg3[%dma_wait3A_273] : memref<32002048xf32, #tpu.memory_space<hbm>> -> memref<32002048xf32, #tpu.memory_space<hbm>>
    tpu.wait_indirect_dma semaphore(%arg9 : memref<!tpu.dma_semaphore, #tpu.memory_space<semaphore_mem>>) src(%dma_wait3A_274 : memref<32002048xf32, #tpu.memory_space<hbm>>) dst(%dma_wait3A_270 : memref<512xf32, #tpu.memory_space<vmem>>)
    %dma_wait3A_275 = arith.constant 6656 : i32
    %dma_wait3A_276 = tpu.memref_slice %arg7[%dma_wait3A_275] : memref<16384xf32, #tpu.memory_space<vmem>> -> memref<512xf32, #tpu.memory_space<vmem>>
    %dma_wait3A_277 = arith.constant 6656 : i32
    %dma_wait3A_278 = tpu.memref_slice %arg6[%dma_wait3A_277] : memref<16384xi32, #tpu.memory_space<vmem>> -> memref<512xi32, #tpu.memory_space<vmem>>
    %dma_wait3A_279 = arith.constant 0 : i32
    %dma_wait3A_280 = tpu.memref_slice %arg3[%dma_wait3A_279] : memref<32002048xf32, #tpu.memory_space<hbm>> -> memref<32002048xf32, #tpu.memory_space<hbm>>
    tpu.wait_indirect_dma semaphore(%arg9 : memref<!tpu.dma_semaphore, #tpu.memory_space<semaphore_mem>>) src(%dma_wait3A_280 : memref<32002048xf32, #tpu.memory_space<hbm>>) dst(%dma_wait3A_276 : memref<512xf32, #tpu.memory_space<vmem>>)
    %dma_wait3A_281 = arith.constant 7168 : i32
    %dma_wait3A_282 = tpu.memref_slice %arg7[%dma_wait3A_281] : memref<16384xf32, #tpu.memory_space<vmem>> -> memref<512xf32, #tpu.memory_space<vmem>>
    %dma_wait3A_283 = arith.constant 7168 : i32
    %dma_wait3A_284 = tpu.memref_slice %arg6[%dma_wait3A_283] : memref<16384xi32, #tpu.memory_space<vmem>> -> memref<512xi32, #tpu.memory_space<vmem>>
    %dma_wait3A_285 = arith.constant 0 : i32
    %dma_wait3A_286 = tpu.memref_slice %arg3[%dma_wait3A_285] : memref<32002048xf32, #tpu.memory_space<hbm>> -> memref<32002048xf32, #tpu.memory_space<hbm>>
    tpu.wait_indirect_dma semaphore(%arg9 : memref<!tpu.dma_semaphore, #tpu.memory_space<semaphore_mem>>) src(%dma_wait3A_286 : memref<32002048xf32, #tpu.memory_space<hbm>>) dst(%dma_wait3A_282 : memref<512xf32, #tpu.memory_space<vmem>>)
    %dma_wait3A_287 = arith.constant 7680 : i32
    %dma_wait3A_288 = tpu.memref_slice %arg7[%dma_wait3A_287] : memref<16384xf32, #tpu.memory_space<vmem>> -> memref<512xf32, #tpu.memory_space<vmem>>
    %dma_wait3A_289 = arith.constant 7680 : i32
    %dma_wait3A_290 = tpu.memref_slice %arg6[%dma_wait3A_289] : memref<16384xi32, #tpu.memory_space<vmem>> -> memref<512xi32, #tpu.memory_space<vmem>>
    %dma_wait3A_291 = arith.constant 0 : i32
    %dma_wait3A_292 = tpu.memref_slice %arg3[%dma_wait3A_291] : memref<32002048xf32, #tpu.memory_space<hbm>> -> memref<32002048xf32, #tpu.memory_space<hbm>>
    tpu.wait_indirect_dma semaphore(%arg9 : memref<!tpu.dma_semaphore, #tpu.memory_space<semaphore_mem>>) src(%dma_wait3A_292 : memref<32002048xf32, #tpu.memory_space<hbm>>) dst(%dma_wait3A_288 : memref<512xf32, #tpu.memory_space<vmem>>)
    %dma_wait3A_293 = arith.constant 8192 : i32
    %dma_wait3A_294 = tpu.memref_slice %arg7[%dma_wait3A_293] : memref<16384xf32, #tpu.memory_space<vmem>> -> memref<512xf32, #tpu.memory_space<vmem>>
    %dma_wait3A_295 = arith.constant 8192 : i32
    %dma_wait3A_296 = tpu.memref_slice %arg6[%dma_wait3A_295] : memref<16384xi32, #tpu.memory_space<vmem>> -> memref<512xi32, #tpu.memory_space<vmem>>
    %dma_wait3A_297 = arith.constant 0 : i32
    %dma_wait3A_298 = tpu.memref_slice %arg3[%dma_wait3A_297] : memref<32002048xf32, #tpu.memory_space<hbm>> -> memref<32002048xf32, #tpu.memory_space<hbm>>
    tpu.wait_indirect_dma semaphore(%arg9 : memref<!tpu.dma_semaphore, #tpu.memory_space<semaphore_mem>>) src(%dma_wait3A_298 : memref<32002048xf32, #tpu.memory_space<hbm>>) dst(%dma_wait3A_294 : memref<512xf32, #tpu.memory_space<vmem>>)
    %dma_wait3A_299 = arith.constant 8704 : i32
    %dma_wait3A_300 = tpu.memref_slice %arg7[%dma_wait3A_299] : memref<16384xf32, #tpu.memory_space<vmem>> -> memref<512xf32, #tpu.memory_space<vmem>>
    %dma_wait3A_301 = arith.constant 8704 : i32
    %dma_wait3A_302 = tpu.memref_slice %arg6[%dma_wait3A_301] : memref<16384xi32, #tpu.memory_space<vmem>> -> memref<512xi32, #tpu.memory_space<vmem>>
    %dma_wait3A_303 = arith.constant 0 : i32
    %dma_wait3A_304 = tpu.memref_slice %arg3[%dma_wait3A_303] : memref<32002048xf32, #tpu.memory_space<hbm>> -> memref<32002048xf32, #tpu.memory_space<hbm>>
    tpu.wait_indirect_dma semaphore(%arg9 : memref<!tpu.dma_semaphore, #tpu.memory_space<semaphore_mem>>) src(%dma_wait3A_304 : memref<32002048xf32, #tpu.memory_space<hbm>>) dst(%dma_wait3A_300 : memref<512xf32, #tpu.memory_space<vmem>>)
    %dma_wait3A_305 = arith.constant 9216 : i32
    %dma_wait3A_306 = tpu.memref_slice %arg7[%dma_wait3A_305] : memref<16384xf32, #tpu.memory_space<vmem>> -> memref<512xf32, #tpu.memory_space<vmem>>
    %dma_wait3A_307 = arith.constant 9216 : i32
    %dma_wait3A_308 = tpu.memref_slice %arg6[%dma_wait3A_307] : memref<16384xi32, #tpu.memory_space<vmem>> -> memref<512xi32, #tpu.memory_space<vmem>>
    %dma_wait3A_309 = arith.constant 0 : i32
    %dma_wait3A_310 = tpu.memref_slice %arg3[%dma_wait3A_309] : memref<32002048xf32, #tpu.memory_space<hbm>> -> memref<32002048xf32, #tpu.memory_space<hbm>>
    tpu.wait_indirect_dma semaphore(%arg9 : memref<!tpu.dma_semaphore, #tpu.memory_space<semaphore_mem>>) src(%dma_wait3A_310 : memref<32002048xf32, #tpu.memory_space<hbm>>) dst(%dma_wait3A_306 : memref<512xf32, #tpu.memory_space<vmem>>)
    %dma_wait3A_311 = arith.constant 9728 : i32
    %dma_wait3A_312 = tpu.memref_slice %arg7[%dma_wait3A_311] : memref<16384xf32, #tpu.memory_space<vmem>> -> memref<512xf32, #tpu.memory_space<vmem>>
    %dma_wait3A_313 = arith.constant 9728 : i32
    %dma_wait3A_314 = tpu.memref_slice %arg6[%dma_wait3A_313] : memref<16384xi32, #tpu.memory_space<vmem>> -> memref<512xi32, #tpu.memory_space<vmem>>
    %dma_wait3A_315 = arith.constant 0 : i32
    %dma_wait3A_316 = tpu.memref_slice %arg3[%dma_wait3A_315] : memref<32002048xf32, #tpu.memory_space<hbm>> -> memref<32002048xf32, #tpu.memory_space<hbm>>
    tpu.wait_indirect_dma semaphore(%arg9 : memref<!tpu.dma_semaphore, #tpu.memory_space<semaphore_mem>>) src(%dma_wait3A_316 : memref<32002048xf32, #tpu.memory_space<hbm>>) dst(%dma_wait3A_312 : memref<512xf32, #tpu.memory_space<vmem>>)
    %dma_wait3A_317 = arith.constant 10240 : i32
    %dma_wait3A_318 = tpu.memref_slice %arg7[%dma_wait3A_317] : memref<16384xf32, #tpu.memory_space<vmem>> -> memref<512xf32, #tpu.memory_space<vmem>>
    %dma_wait3A_319 = arith.constant 10240 : i32
    %dma_wait3A_320 = tpu.memref_slice %arg6[%dma_wait3A_319] : memref<16384xi32, #tpu.memory_space<vmem>> -> memref<512xi32, #tpu.memory_space<vmem>>
    %dma_wait3A_321 = arith.constant 0 : i32
    %dma_wait3A_322 = tpu.memref_slice %arg3[%dma_wait3A_321] : memref<32002048xf32, #tpu.memory_space<hbm>> -> memref<32002048xf32, #tpu.memory_space<hbm>>
    tpu.wait_indirect_dma semaphore(%arg9 : memref<!tpu.dma_semaphore, #tpu.memory_space<semaphore_mem>>) src(%dma_wait3A_322 : memref<32002048xf32, #tpu.memory_space<hbm>>) dst(%dma_wait3A_318 : memref<512xf32, #tpu.memory_space<vmem>>)
    %dma_wait3A_323 = arith.constant 10752 : i32
    %dma_wait3A_324 = tpu.memref_slice %arg7[%dma_wait3A_323] : memref<16384xf32, #tpu.memory_space<vmem>> -> memref<512xf32, #tpu.memory_space<vmem>>
    %dma_wait3A_325 = arith.constant 10752 : i32
    %dma_wait3A_326 = tpu.memref_slice %arg6[%dma_wait3A_325] : memref<16384xi32, #tpu.memory_space<vmem>> -> memref<512xi32, #tpu.memory_space<vmem>>
    %dma_wait3A_327 = arith.constant 0 : i32
    %dma_wait3A_328 = tpu.memref_slice %arg3[%dma_wait3A_327] : memref<32002048xf32, #tpu.memory_space<hbm>> -> memref<32002048xf32, #tpu.memory_space<hbm>>
    tpu.wait_indirect_dma semaphore(%arg9 : memref<!tpu.dma_semaphore, #tpu.memory_space<semaphore_mem>>) src(%dma_wait3A_328 : memref<32002048xf32, #tpu.memory_space<hbm>>) dst(%dma_wait3A_324 : memref<512xf32, #tpu.memory_space<vmem>>)
    %dma_wait3A_329 = arith.constant 11264 : i32
    %dma_wait3A_330 = tpu.memref_slice %arg7[%dma_wait3A_329] : memref<16384xf32, #tpu.memory_space<vmem>> -> memref<512xf32, #tpu.memory_space<vmem>>
    %dma_wait3A_331 = arith.constant 11264 : i32
    %dma_wait3A_332 = tpu.memref_slice %arg6[%dma_wait3A_331] : memref<16384xi32, #tpu.memory_space<vmem>> -> memref<512xi32, #tpu.memory_space<vmem>>
    %dma_wait3A_333 = arith.constant 0 : i32
    %dma_wait3A_334 = tpu.memref_slice %arg3[%dma_wait3A_333] : memref<32002048xf32, #tpu.memory_space<hbm>> -> memref<32002048xf32, #tpu.memory_space<hbm>>
    tpu.wait_indirect_dma semaphore(%arg9 : memref<!tpu.dma_semaphore, #tpu.memory_space<semaphore_mem>>) src(%dma_wait3A_334 : memref<32002048xf32, #tpu.memory_space<hbm>>) dst(%dma_wait3A_330 : memref<512xf32, #tpu.memory_space<vmem>>)
    %dma_wait3A_335 = arith.constant 11776 : i32
    %dma_wait3A_336 = tpu.memref_slice %arg7[%dma_wait3A_335] : memref<16384xf32, #tpu.memory_space<vmem>> -> memref<512xf32, #tpu.memory_space<vmem>>
    %dma_wait3A_337 = arith.constant 11776 : i32
    %dma_wait3A_338 = tpu.memref_slice %arg6[%dma_wait3A_337] : memref<16384xi32, #tpu.memory_space<vmem>> -> memref<512xi32, #tpu.memory_space<vmem>>
    %dma_wait3A_339 = arith.constant 0 : i32
    %dma_wait3A_340 = tpu.memref_slice %arg3[%dma_wait3A_339] : memref<32002048xf32, #tpu.memory_space<hbm>> -> memref<32002048xf32, #tpu.memory_space<hbm>>
    tpu.wait_indirect_dma semaphore(%arg9 : memref<!tpu.dma_semaphore, #tpu.memory_space<semaphore_mem>>) src(%dma_wait3A_340 : memref<32002048xf32, #tpu.memory_space<hbm>>) dst(%dma_wait3A_336 : memref<512xf32, #tpu.memory_space<vmem>>)
    %dma_wait3A_341 = arith.constant 12288 : i32
    %dma_wait3A_342 = tpu.memref_slice %arg7[%dma_wait3A_341] : memref<16384xf32, #tpu.memory_space<vmem>> -> memref<512xf32, #tpu.memory_space<vmem>>
    %dma_wait3A_343 = arith.constant 12288 : i32
    %dma_wait3A_344 = tpu.memref_slice %arg6[%dma_wait3A_343] : memref<16384xi32, #tpu.memory_space<vmem>> -> memref<512xi32, #tpu.memory_space<vmem>>
    %dma_wait3A_345 = arith.constant 0 : i32
    %dma_wait3A_346 = tpu.memref_slice %arg3[%dma_wait3A_345] : memref<32002048xf32, #tpu.memory_space<hbm>> -> memref<32002048xf32, #tpu.memory_space<hbm>>
    tpu.wait_indirect_dma semaphore(%arg9 : memref<!tpu.dma_semaphore, #tpu.memory_space<semaphore_mem>>) src(%dma_wait3A_346 : memref<32002048xf32, #tpu.memory_space<hbm>>) dst(%dma_wait3A_342 : memref<512xf32, #tpu.memory_space<vmem>>)
    %dma_wait3A_347 = arith.constant 12800 : i32
    %dma_wait3A_348 = tpu.memref_slice %arg7[%dma_wait3A_347] : memref<16384xf32, #tpu.memory_space<vmem>> -> memref<512xf32, #tpu.memory_space<vmem>>
    %dma_wait3A_349 = arith.constant 12800 : i32
    %dma_wait3A_350 = tpu.memref_slice %arg6[%dma_wait3A_349] : memref<16384xi32, #tpu.memory_space<vmem>> -> memref<512xi32, #tpu.memory_space<vmem>>
    %dma_wait3A_351 = arith.constant 0 : i32
    %dma_wait3A_352 = tpu.memref_slice %arg3[%dma_wait3A_351] : memref<32002048xf32, #tpu.memory_space<hbm>> -> memref<32002048xf32, #tpu.memory_space<hbm>>
    tpu.wait_indirect_dma semaphore(%arg9 : memref<!tpu.dma_semaphore, #tpu.memory_space<semaphore_mem>>) src(%dma_wait3A_352 : memref<32002048xf32, #tpu.memory_space<hbm>>) dst(%dma_wait3A_348 : memref<512xf32, #tpu.memory_space<vmem>>)
    %dma_wait3A_353 = arith.constant 13312 : i32
    %dma_wait3A_354 = tpu.memref_slice %arg7[%dma_wait3A_353] : memref<16384xf32, #tpu.memory_space<vmem>> -> memref<512xf32, #tpu.memory_space<vmem>>
    %dma_wait3A_355 = arith.constant 13312 : i32
    %dma_wait3A_356 = tpu.memref_slice %arg6[%dma_wait3A_355] : memref<16384xi32, #tpu.memory_space<vmem>> -> memref<512xi32, #tpu.memory_space<vmem>>
    %dma_wait3A_357 = arith.constant 0 : i32
    %dma_wait3A_358 = tpu.memref_slice %arg3[%dma_wait3A_357] : memref<32002048xf32, #tpu.memory_space<hbm>> -> memref<32002048xf32, #tpu.memory_space<hbm>>
    tpu.wait_indirect_dma semaphore(%arg9 : memref<!tpu.dma_semaphore, #tpu.memory_space<semaphore_mem>>) src(%dma_wait3A_358 : memref<32002048xf32, #tpu.memory_space<hbm>>) dst(%dma_wait3A_354 : memref<512xf32, #tpu.memory_space<vmem>>)
    %dma_wait3A_359 = arith.constant 13824 : i32
    %dma_wait3A_360 = tpu.memref_slice %arg7[%dma_wait3A_359] : memref<16384xf32, #tpu.memory_space<vmem>> -> memref<512xf32, #tpu.memory_space<vmem>>
    %dma_wait3A_361 = arith.constant 13824 : i32
    %dma_wait3A_362 = tpu.memref_slice %arg6[%dma_wait3A_361] : memref<16384xi32, #tpu.memory_space<vmem>> -> memref<512xi32, #tpu.memory_space<vmem>>
    %dma_wait3A_363 = arith.constant 0 : i32
    %dma_wait3A_364 = tpu.memref_slice %arg3[%dma_wait3A_363] : memref<32002048xf32, #tpu.memory_space<hbm>> -> memref<32002048xf32, #tpu.memory_space<hbm>>
    tpu.wait_indirect_dma semaphore(%arg9 : memref<!tpu.dma_semaphore, #tpu.memory_space<semaphore_mem>>) src(%dma_wait3A_364 : memref<32002048xf32, #tpu.memory_space<hbm>>) dst(%dma_wait3A_360 : memref<512xf32, #tpu.memory_space<vmem>>)
    %dma_wait3A_365 = arith.constant 14336 : i32
    %dma_wait3A_366 = tpu.memref_slice %arg7[%dma_wait3A_365] : memref<16384xf32, #tpu.memory_space<vmem>> -> memref<512xf32, #tpu.memory_space<vmem>>
    %dma_wait3A_367 = arith.constant 14336 : i32
    %dma_wait3A_368 = tpu.memref_slice %arg6[%dma_wait3A_367] : memref<16384xi32, #tpu.memory_space<vmem>> -> memref<512xi32, #tpu.memory_space<vmem>>
    %dma_wait3A_369 = arith.constant 0 : i32
    %dma_wait3A_370 = tpu.memref_slice %arg3[%dma_wait3A_369] : memref<32002048xf32, #tpu.memory_space<hbm>> -> memref<32002048xf32, #tpu.memory_space<hbm>>
    tpu.wait_indirect_dma semaphore(%arg9 : memref<!tpu.dma_semaphore, #tpu.memory_space<semaphore_mem>>) src(%dma_wait3A_370 : memref<32002048xf32, #tpu.memory_space<hbm>>) dst(%dma_wait3A_366 : memref<512xf32, #tpu.memory_space<vmem>>)
    %dma_wait3A_371 = arith.constant 14848 : i32
    %dma_wait3A_372 = tpu.memref_slice %arg7[%dma_wait3A_371] : memref<16384xf32, #tpu.memory_space<vmem>> -> memref<512xf32, #tpu.memory_space<vmem>>
    %dma_wait3A_373 = arith.constant 14848 : i32
    %dma_wait3A_374 = tpu.memref_slice %arg6[%dma_wait3A_373] : memref<16384xi32, #tpu.memory_space<vmem>> -> memref<512xi32, #tpu.memory_space<vmem>>
    %dma_wait3A_375 = arith.constant 0 : i32
    %dma_wait3A_376 = tpu.memref_slice %arg3[%dma_wait3A_375] : memref<32002048xf32, #tpu.memory_space<hbm>> -> memref<32002048xf32, #tpu.memory_space<hbm>>
    tpu.wait_indirect_dma semaphore(%arg9 : memref<!tpu.dma_semaphore, #tpu.memory_space<semaphore_mem>>) src(%dma_wait3A_376 : memref<32002048xf32, #tpu.memory_space<hbm>>) dst(%dma_wait3A_372 : memref<512xf32, #tpu.memory_space<vmem>>)
    %dma_wait3A_377 = arith.constant 15360 : i32
    %dma_wait3A_378 = tpu.memref_slice %arg7[%dma_wait3A_377] : memref<16384xf32, #tpu.memory_space<vmem>> -> memref<512xf32, #tpu.memory_space<vmem>>
    %dma_wait3A_379 = arith.constant 15360 : i32
    %dma_wait3A_380 = tpu.memref_slice %arg6[%dma_wait3A_379] : memref<16384xi32, #tpu.memory_space<vmem>> -> memref<512xi32, #tpu.memory_space<vmem>>
    %dma_wait3A_381 = arith.constant 0 : i32
    %dma_wait3A_382 = tpu.memref_slice %arg3[%dma_wait3A_381] : memref<32002048xf32, #tpu.memory_space<hbm>> -> memref<32002048xf32, #tpu.memory_space<hbm>>
    tpu.wait_indirect_dma semaphore(%arg9 : memref<!tpu.dma_semaphore, #tpu.memory_space<semaphore_mem>>) src(%dma_wait3A_382 : memref<32002048xf32, #tpu.memory_space<hbm>>) dst(%dma_wait3A_378 : memref<512xf32, #tpu.memory_space<vmem>>)
    %dma_wait3A_383 = arith.constant 15872 : i32
    %dma_wait3A_384 = tpu.memref_slice %arg7[%dma_wait3A_383] : memref<16384xf32, #tpu.memory_space<vmem>> -> memref<512xf32, #tpu.memory_space<vmem>>
    %dma_wait3A_385 = arith.constant 15872 : i32
    %dma_wait3A_386 = tpu.memref_slice %arg6[%dma_wait3A_385] : memref<16384xi32, #tpu.memory_space<vmem>> -> memref<512xi32, #tpu.memory_space<vmem>>
    %dma_wait3A_387 = arith.constant 0 : i32
    %dma_wait3A_388 = tpu.memref_slice %arg3[%dma_wait3A_387] : memref<32002048xf32, #tpu.memory_space<hbm>> -> memref<32002048xf32, #tpu.memory_space<hbm>>
    tpu.wait_indirect_dma semaphore(%arg9 : memref<!tpu.dma_semaphore, #tpu.memory_space<semaphore_mem>>) src(%dma_wait3A_388 : memref<32002048xf32, #tpu.memory_space<hbm>>) dst(%dma_wait3A_384 : memref<512xf32, #tpu.memory_space<vmem>>)
    %iota3A = tpu.iota {dimensions = array<i32: 0>} : vector<16xi32>
    %scan3A_389 = arith.constant 0 : i32
    %scan3A_390 = arith.constant 512 : i32
    %scan3A_391 = arith.addi %scan3A_389, %scan3A_390 : i32
    %scan3A_392 = arith.constant 1 : i32
    scf.for %scan3A_394 = %scan3A_389 to %scan3A_391 step %scan3A_392  : i32 {
      %mul3A_395 = arith.constant 2 : i32
      %mul3A_396 = arith.muli %scan3A_394, %mul3A_395 : i32
      %add3A_397 = arith.constant 0 : i32
      %add3A_398 = arith.addi %mul3A_396, %add3A_397 : i32
      %mul3A_399 = arith.constant 16 : i32
      %mul3A_400 = arith.muli %add3A_398, %mul3A_399 : i32
      %get3A = arith.index_cast %mul3A_400 : i32 to index
      %get3A_401 = tpu.vector_load %arg7[%get3A] {strides = array<i32>} : memref<16384xf32, #tpu.memory_space<vmem>>, vector<16xf32>,
      %mul3A_402 = arith.constant 2 : i32
      %mul3A_403 = arith.muli %scan3A_394, %mul3A_402 : i32
      %add3A_404 = arith.constant 0 : i32
      %add3A_405 = arith.addi %mul3A_403, %add3A_404 : i32
      %jit3A = arith.constant 32 : i32
      %div3A = arith.divsi %add3A_405, %jit3A : i32
      %sign3A = arith.constant 0 : i32
      %sign3A_406 = arith.cmpi sgt, %add3A_405, %sign3A : i32
      %sign3A_407 = arith.extui %sign3A_406 : i1 to i32
      %sign3A_408 = arith.constant 0 : i32
      %sign3A_409 = arith.cmpi slt, %add3A_405, %sign3A_408 : i32
      %sign3A_410 = arith.extui %sign3A_409 : i1 to i32
      %sign3A_411 = arith.subi %sign3A_407, %sign3A_410 : i32
      %sign3A_412 = arith.constant 0 : i32
      %sign3A_413 = arith.cmpi sgt, %jit3A, %sign3A_412 : i32
      %sign3A_414 = arith.extui %sign3A_413 : i1 to i32
      %sign3A_415 = arith.constant 0 : i32
      %sign3A_416 = arith.cmpi slt, %jit3A, %sign3A_415 : i32
      %sign3A_417 = arith.extui %sign3A_416 : i1 to i32
      %sign3A_418 = arith.subi %sign3A_414, %sign3A_417 : i32
      %ne3A = arith.cmpi ne, %sign3A_411, %sign3A_418 : i32
      %rem3A = arith.remsi %add3A_405, %jit3A : i32
      %ne3A_419 = arith.constant 0 : i32
      %ne3A_420 = arith.cmpi ne, %rem3A, %ne3A_419 : i32
      %and3A = arith.andi %ne3A, %ne3A_420 : i1
      %sub3A = arith.constant 1 : i32
      %sub3A_421 = arith.subi %div3A, %sub3A : i32
      %select_n3A = arith.select %and3A, %sub3A_421, %div3A : i32
      %broadcast_in_dim3A = vector.broadcast %select_n3A : i32 to vector<16xi32>
      %jit3A_422 = arith.constant 32 : i32
      %eq3A = arith.constant 0 : i32
      %eq3A_423 = arith.cmpi eq, %jit3A_422, %eq3A : i32
      %jit3A_424 = arith.constant 1 : i32
      %select_n3A_425 = arith.select %eq3A_423, %jit3A_424, %jit3A_422 : i32
      %rem3A_426 = arith.remsi %add3A_405, %select_n3A_425 : i32
      %ne3A_427 = arith.constant 0 : i32
      %ne3A_428 = arith.cmpi ne, %rem3A_426, %ne3A_427 : i32
      %lt3A = arith.constant 0 : i32
      %lt3A_429 = arith.cmpi slt, %rem3A_426, %lt3A : i32
      %lt3A_430 = arith.constant 0 : i32
      %lt3A_431 = arith.cmpi slt, %select_n3A_425, %lt3A_430 : i32
      %ne3A_432 = arith.xori %lt3A_429, %lt3A_431 : i1
      %and3A_433 = arith.andi %ne3A_432, %ne3A_428 : i1
      %add3A_434 = arith.addi %rem3A_426, %select_n3A_425 : i32
      %select_n3A_435 = arith.select %and3A_433, %add3A_434, %rem3A_426 : i32
      %mul3A_436 = arith.constant 16 : i32
      %mul3A_437 = arith.muli %select_n3A_435, %mul3A_436 : i32
      %broadcast_in_dim3A_438 = vector.broadcast %mul3A_437 : i32 to vector<16xi32>
      %add3A_439 = arith.addi %broadcast_in_dim3A_438, %iota3A : vector<16xi32>
      tpu.vector_store_idx %arg8[%broadcast_in_dim3A, %add3A_439], %get3A_401 : memref<32x512xf32, #tpu.memory_space<vmem>>[vector<16xi32>, vector<16xi32>], vector<16xf32>,
      %mul3A_440 = arith.constant 2 : i32
      %mul3A_441 = arith.muli %scan3A_394, %mul3A_440 : i32
      %add3A_442 = arith.constant 1 : i32
      %add3A_443 = arith.addi %mul3A_441, %add3A_442 : i32
      %mul3A_444 = arith.constant 16 : i32
      %mul3A_445 = arith.muli %add3A_443, %mul3A_444 : i32
      %get3A_446 = arith.index_cast %mul3A_445 : i32 to index
      %get3A_447 = tpu.vector_load %arg7[%get3A_446] {strides = array<i32>} : memref<16384xf32, #tpu.memory_space<vmem>>, vector<16xf32>,
      %mul3A_448 = arith.constant 2 : i32
      %mul3A_449 = arith.muli %scan3A_394, %mul3A_448 : i32
      %add3A_450 = arith.constant 1 : i32
      %add3A_451 = arith.addi %mul3A_449, %add3A_450 : i32
      %jit3A_452 = arith.constant 32 : i32
      %div3A_453 = arith.divsi %add3A_451, %jit3A_452 : i32
      %sign3A_454 = arith.constant 0 : i32
      %sign3A_455 = arith.cmpi sgt, %add3A_451, %sign3A_454 : i32
      %sign3A_456 = arith.extui %sign3A_455 : i1 to i32
      %sign3A_457 = arith.constant 0 : i32
      %sign3A_458 = arith.cmpi slt, %add3A_451, %sign3A_457 : i32
      %sign3A_459 = arith.extui %sign3A_458 : i1 to i32
      %sign3A_460 = arith.subi %sign3A_456, %sign3A_459 : i32
      %sign3A_461 = arith.constant 0 : i32
      %sign3A_462 = arith.cmpi sgt, %jit3A_452, %sign3A_461 : i32
      %sign3A_463 = arith.extui %sign3A_462 : i1 to i32
      %sign3A_464 = arith.constant 0 : i32
      %sign3A_465 = arith.cmpi slt, %jit3A_452, %sign3A_464 : i32
      %sign3A_466 = arith.extui %sign3A_465 : i1 to i32
      %sign3A_467 = arith.subi %sign3A_463, %sign3A_466 : i32
      %ne3A_468 = arith.cmpi ne, %sign3A_460, %sign3A_467 : i32
      %rem3A_469 = arith.remsi %add3A_451, %jit3A_452 : i32
      %ne3A_470 = arith.constant 0 : i32
      %ne3A_471 = arith.cmpi ne, %rem3A_469, %ne3A_470 : i32
      %and3A_472 = arith.andi %ne3A_468, %ne3A_471 : i1
      %sub3A_473 = arith.constant 1 : i32
      %sub3A_474 = arith.subi %div3A_453, %sub3A_473 : i32
      %select_n3A_475 = arith.select %and3A_472, %sub3A_474, %div3A_453 : i32
      %broadcast_in_dim3A_476 = vector.broadcast %select_n3A_475 : i32 to vector<16xi32>
      %jit3A_477 = arith.constant 32 : i32
      %eq3A_478 = arith.constant 0 : i32
      %eq3A_479 = arith.cmpi eq, %jit3A_477, %eq3A_478 : i32
      %jit3A_480 = arith.constant 1 : i32
      %select_n3A_481 = arith.select %eq3A_479, %jit3A_480, %jit3A_477 : i32
      %rem3A_482 = arith.remsi %add3A_451, %select_n3A_481 : i32
      %ne3A_483 = arith.constant 0 : i32
      %ne3A_484 = arith.cmpi ne, %rem3A_482, %ne3A_483 : i32
      %lt3A_485 = arith.constant 0 : i32
      %lt3A_486 = arith.cmpi slt, %rem3A_482, %lt3A_485 : i32
      %lt3A_487 = arith.constant 0 : i32
      %lt3A_488 = arith.cmpi slt, %select_n3A_481, %lt3A_487 : i32
      %ne3A_489 = arith.xori %lt3A_486, %lt3A_488 : i1
      %and3A_490 = arith.andi %ne3A_489, %ne3A_484 : i1
      %add3A_491 = arith.addi %rem3A_482, %select_n3A_481 : i32
      %select_n3A_492 = arith.select %and3A_490, %add3A_491, %rem3A_482 : i32
      %mul3A_493 = arith.constant 16 : i32
      %mul3A_494 = arith.muli %select_n3A_492, %mul3A_493 : i32
      %broadcast_in_dim3A_495 = vector.broadcast %mul3A_494 : i32 to vector<16xi32>
      %add3A_496 = arith.addi %broadcast_in_dim3A_495, %iota3A : vector<16xi32>
      tpu.vector_store_idx %arg8[%broadcast_in_dim3A_476, %add3A_496], %get3A_447 : memref<32x512xf32, #tpu.memory_space<vmem>>[vector<16xi32>, vector<16xi32>], vector<16xf32>,
    }
    %scan3A_393 = arith.constant 512 : i32
    "tpu.region"() ({
      %run_scoped3A = tpu.sem_alloc : memref<!tpu.dma_semaphore, #tpu.memory_space<semaphore_mem>>
      %dma_start3A_394 = arith.constant 0 : i32
      %dma_start3A_395 = tpu.memref_slice %arg4[%dma_start3A_394, %mul3A_2] : memref<32x16384xf32, #tpu.memory_space<hbm>> -> memref<32x512xf32, #tpu.memory_space<hbm>>
      %dma_start3A_396 = arith.constant 0 : i32
      %dma_start3A_397 = tpu.memref_slice %arg4[%dma_start3A_396, %mul3A_2] : memref<32x16384xf32, #tpu.memory_space<hbm>> -> memref<32x512xf32, #tpu.memory_space<hbm>>
      tpu.enqueue_dma source(%arg8 : memref<32x512xf32, #tpu.memory_space<vmem>>) target(%dma_start3A_397 : memref<32x512xf32, #tpu.memory_space<hbm>>) target_semaphore(%run_scoped3A : memref<!tpu.dma_semaphore, #tpu.memory_space<semaphore_mem>>)
      %dma_wait3A_398 = arith.constant 0 : i32
      %dma_wait3A_399 = tpu.memref_slice %arg4[%dma_wait3A_398, %mul3A_2] : memref<32x16384xf32, #tpu.memory_space<hbm>> -> memref<32x512xf32, #tpu.memory_space<hbm>>
      %dma_wait3A_400 = arith.constant 0 : i32
      %dma_wait3A_401 = tpu.memref_slice %arg4[%dma_wait3A_400, %mul3A_2] : memref<32x16384xf32, #tpu.memory_space<hbm>> -> memref<32x512xf32, #tpu.memory_space<hbm>>
      tpu.wait_dma2 semaphore(%run_scoped3A : memref<!tpu.dma_semaphore, #tpu.memory_space<semaphore_mem>>) src(%arg8 : memref<32x512xf32, #tpu.memory_space<vmem>>) dst(%dma_wait3A_401 : memref<32x512xf32, #tpu.memory_space<hbm>>)
      tpu.yield
    }) : () -> ()
    return
  }
}

</mosaic_0001>

<sc_bundles>
// kernel: kernel.3.cloned.1.call-start
scs
__scs_entry_jumppad:
0x0: {  	(pc) =	sbr.rel $0x88, $3  }
0x1: {  	(tag) =	ssettag $0x0;
	lr =	simm.s32 $0x1  }
0x2: {  	[smem:$0x3F9F] =	sst lr;
	_ =	strace $0xD0000000  }
0x3: {  	_ = 	snop  }
0x4: {  	_ = 	snop  }
0x5: {  	_ = 	snop  }
0x6: {  	_ = 	snop  }
0x7: {  	_ = 	snop  }
__scs_overlays_trampoline_lowered:
0x8: {  	[smem:$0x3FAE] =	sst s0  }
0x9: {  	[smem:$0x3FAF] =	sst s1  }
0xa: {  	[smem:$0x3FB0] =	sst s2  }
0xb: {  	[smem:$0x3FB1] =	sst s3  }
0xc: {  	[smem:$0x3FB2] =	sst s4  }
0xd: {  	[smem:$0x3FB3] =	sst s5  }
0xe: {  	[smem:$0x3FB4] =	sst s6  }
0xf: {  	[smem:$0x3FB5] =	sst s7  }
0x10: {  	[smem:$0x3FB6] =	sst s8  }
0x11: {  	[smem:$0x3FB7] =	sst s9;
	s0 =	simm.s32 @!p0 $0x0  }
0x12: {  	s1 =	sld [smem:$0x3F9D];
	s0 =	simm.s32 @p0 $0x1  }
0x13: {  	[smem:$0x3FB8] =	sst s0;
	s0 =	simm.s32 @!p1 $0x0  }
0x14: {  	s2 =	sld [smem:$0x3F9C];
	s0 =	simm.s32 @p1 $0x1  }
0x15: {  	[smem:$0x3FB9] =	sst s0;
	s0 =	simm.s32 @!p2 $0x0  }
0x16: {  	s3 =	sld [smem:$0x3FDB];
	s0 =	simm.s32 @p2 $0x1  }
0x17: {  	s4 =	simm.s32 $0x1BF5;
	[smem:$0x3FBB] =	sst s0  }
0x18: {  	s0 =	sld [smem:$0x3F9E];
	_ =	swait.ge [sflag:s4], $0x0  }
0x19: {  	s7 =	sld [smem:$0x3F9F]  }
0x1a: {  	s8 =	sadd.s32 $0xFFFFE003, lr  }
0x1b: {  	s9 =	sadd.s32 $0xFFFFFEF7, lr;
	s5 =	simm.s32 $0xFFFFFFFF;
	p2 =	slt.u32 s8, $0xFFFFF086  }
0x1c: {  	p1 =	slt.u32 s9, $0xF7A;
	s5 =	simm.s32 @!p2 $0x0  }
0x1d: {  	s5 =	simm.s32 @p1 $0x1;
	p0 =	seq.s32 s7, s2  }
0x1e: {  	s7 =	smul.u32 @!p0 $0xF7A, s2;
	p2 =	seq.s32 @!p0 s5, $0x0  }
0x1f: {  	s9 =	smul.u32 $0xF7A, s1;
	s8 =	simm.s32 @!p0 $0x1BF5;
	p2 =	por !p2, p0  }
0x20: {  	[sflag:s8] =	ssyncset.s32 @!p0 $0xFFFFF086;
	s6 =	sadd.s32 @!p0 s3, s7;
	s7 =	simm.s32 @!p0 $0x108  }
0x21: {  	s3 =	sadd.s32 s3, s9;
	s6 =	sadd.s32 @!p0 $0x88, s6;
	s7 =	simm.s32 @p2 $0x1082  }
0x22: {  	[simem:s7], [sflag:s8] =	dma.local @!p0 [hbm:s6], $0xF7A  }
0x23: {  	s9 =	sor.u32 $0xD0000000, s2;
	s6 =	simm.s32 $0x108;
	_ =	swait.ge @!p0 [sflag:s8], $0x0  }
0x24: {  	s3 =	sadd.s32 $0x88, s3;
	s6 =	simm.s32 @!p1 $0x1082;
	[sflag:s4] =	ssyncset.s32 $0xFFFFF086  }
0x25: {  	[simem:s6], [sflag:s4] =	dma.local [hbm:s3], $0xF7A  }
0x26: {  	[smem:$0x3F9F] =	sst s1;
	(tag) =	ssettag s2;
	_ =	strace s9  }
0x27: {  	s1 =	sld [smem:$0x3FAF]  }
0x28: {  	s2 =	sld [smem:$0x3FB0]  }
0x29: {  	s4 =	sld [smem:$0x3FB2]  }
0x2a: {  	p0 =	seq.s32 s5, $0x0;
	s5 =	sld [smem:$0x3FB3]  }
0x2b: {  	s6 =	sld [smem:$0x3FB4]  }
0x2c: {  	s7 =	sld [smem:$0x3FB5]  }
0x2d: {  	s3 =	simm.s32 $0x108;
	s8 =	sld [smem:$0x3FB6]  }
0x2e: {  	s3 =	simm.s32 @!p0 $0x1082;
	s9 =	sld [smem:$0x3FB7]  }
0x2f: {  	lr =	sadd.s32 s0, s3;
	s0 =	sld [smem:$0x3FAE]  }
0x30: {  	s3 =	sld [smem:$0x3FB1]  }
0x31: {  	[smem:$0x3FBA] =	sst s10  }
0x32: {  	s10 =	sld [smem:$0x3FB8];
	_ =	sdelay $0x3  }
0x33: {  	p0 =	seq.s32 s10, $0x1;
	s10 =	sld [smem:$0x3FBA];
	_ =	sdelay $0x3  }
0x34: {  	[smem:$0x3FBA] =	sst s10  }
0x35: {  	s10 =	sld [smem:$0x3FB9];
	_ =	sdelay $0x3  }
0x36: {  	p1 =	seq.s32 s10, $0x1;
	s10 =	sld [smem:$0x3FBA];
	_ =	sdelay $0x3  }
0x37: {  	[smem:$0x3FBA] =	sst s10  }
0x38: {  	s10 =	sld [smem:$0x3FBB]  }
0x39: {  	_ = 	snop;
	(pc) =	sbr.ind lr, $3  }
0x3a: {  	_ = 	snop  }
0x3b: {  	_ = 	snop  }
0x3c: {  	p2 =	seq.s32 s10, $0x1;
	s10 =	sld [smem:$0x3FBA]  }
0x3d: {  	_ =	shalt  }
0x3e: {  	_ =	shalt  }
0x3f: {  	_ =	shalt  }
0x40: {  	_ =	shalt  }
0x41: {  	_ =	shalt  }
0x42: {  	_ =	shalt  }
0x43: {  	_ =	shalt  }
0x44: {  	_ =	shalt  }
0x45: {  	_ =	shalt  }
0x46: {  	_ =	shalt  }
0x47: {  	_ =	shalt  }
0x48: {  	_ =	shalt  }
0x49: {  	_ =	shalt  }
0x4a: {  	_ =	shalt  }
0x4b: {  	_ =	shalt  }
0x4c: {  	_ =	shalt  }
0x4d: {  	_ =	shalt  }
0x4e: {  	_ =	shalt  }
0x4f: {  	_ =	shalt  }
0x50: {  	_ =	shalt  }
0x51: {  	_ =	shalt  }
0x52: {  	_ =	shalt  }
0x53: {  	_ =	shalt  }
0x54: {  	_ =	shalt  }
0x55: {  	_ =	shalt  }
0x56: {  	_ =	shalt  }
0x57: {  	_ =	shalt  }
0x58: {  	_ =	shalt  }
0x59: {  	_ =	shalt  }
0x5a: {  	_ =	shalt  }
0x5b: {  	_ =	shalt  }
0x5c: {  	_ =	shalt  }
0x5d: {  	_ =	shalt  }
0x5e: {  	_ =	shalt  }
0x5f: {  	_ =	shalt  }
0x60: {  	_ =	shalt  }
0x61: {  	_ =	shalt  }
0x62: {  	_ =	shalt  }
0x63: {  	_ =	shalt  }
0x64: {  	_ =	shalt  }
0x65: {  	_ =	shalt  }
0x66: {  	_ =	shalt  }
0x67: {  	_ =	shalt  }
0x68: {  	_ =	shalt  }
0x69: {  	_ =	shalt  }
0x6a: {  	_ =	shalt  }
0x6b: {  	_ =	shalt  }
0x6c: {  	_ =	shalt  }
0x6d: {  	_ =	shalt  }
0x6e: {  	_ =	shalt  }
0x6f: {  	_ =	shalt  }
0x70: {  	_ =	shalt  }
0x71: {  	_ =	shalt  }
0x72: {  	_ =	shalt  }
0x73: {  	_ =	shalt  }
0x74: {  	_ =	shalt  }
0x75: {  	_ =	shalt  }
0x76: {  	_ =	shalt  }
0x77: {  	_ =	shalt  }
0x78: {  	_ =	shalt  }
0x79: {  	_ =	shalt  }
0x7a: {  	_ =	shalt  }
0x7b: {  	_ =	shalt  }
0x7c: {  	_ =	shalt  }
0x7d: {  	_ =	shalt  }
0x7e: {  	_ =	shalt  }
0x7f: {  	_ =	shalt  }
0x80: {  	_ =	shalt  }
0x81: {  	_ =	shalt  }
0x82: {  	_ =	shalt  }
0x83: {  	_ =	shalt  }
0x84: {  	_ =	shalt  }
0x85: {  	_ =	shalt  }
0x86: {  	_ =	shalt  }
0x87: {  	_ =	shalt  }
.Lfunc_end0:
.L_simem_size_0:
called_computation_lowered:
.L_overlay_start_0:
0x88: {  	s2 =	sld [smem:$0x3FD9]  }
0x89: {  	s3 =	sld [smem:$0x3FFE];
	_ =	sdelay $0x1  }
0x8a: {  	s1 =	srdreg.scid  }
0x8b: {  	s0 =	sand.u32 $0x1, s1  }
0x8c: {  	s17 =	sshll.u32 s0, $0xA;
	s2 =	sadd.s32 s3, s2  }
0x8d: {  	s2 =	sadd.s32 s2, s17  }
0x8e: {  	[smem:$0x3FC6] =	sst s2  }
0x8f: {  	_ = 	snop  }
0x90: {  	s2 =	sld [smem:$0x3FC9];
	(tm) =	ssettm $0x1  }
0x91: {  	s18 =	sld [smem:$0x3FFB];
	_ =	sdelay $0x3  }
0x92: {  	_ =	strace s18  }
0x93: {  	s3 =	sld [smem:$0x3FFC];
	_ =	sdelay $0x3  }
0x94: {  	_ =	strace s3  }
0x95: {  	s3 =	sld [smem:$0x3FFD];
	_ =	sdelay $0x3  }
0x96: {  	_ =	strace s3  }
0x97: {  	_ =	strace $0x8FFFFFFF  }
0x98: {  	s19 =	sld [smem:$0x3FDB];
	_ =	sdelay $0x1  }
0x99: {  	s4 =	simm.s32 $_scs_section_size  }
0x9a: {  	s5 =	simm.s32 $_size__tile_overlayer_lowered;
	s6 =	simm.s32 $_tile_overlayer_lowered  }
0x9b: {  	s22 =	simm.s32 $0x1BFF;
	s21 =	sshll.u32 s6, $0x1;
	s3 =	sadd.s32 s4, s19  }
0x9c: {  	s7 =	simm.s32 $0x0;
	s20 =	sshll.u32 s5, $0x1;
	s5 =	sadd.s32 s21, s3  }
0x9d: {  	[timem:s7], [sflag:s22] =	dma.local [hbm:s5], s20  }
0x9e: {  	_ =	swait.ge [sflag:s22], s20  }
0x9f: {  	s4 =	ssub.s32 $0x0, s20;
	[sflag:s22] =	ssyncset.done $0x0  }
0xa0: {  	[sflag:s22] =	ssyncadd.s32 s4;
	_ =	sdelay $0x1  }
0xa1: {  	s23 =	simm.s32 $0x1B8B  }
0xa2: {  	_ =	swait.ge [sflag:s23], $0x1  }
0xa3: {  	[sflag:s23] =	ssyncset.done $0x0  }
0xa4: {  	s25 =	simm.s32 $0x1B8E;
	s24 =	sld [smem:$0x3FFE];
	[sflag:s23] =	ssyncadd.s32 $0xFFFFFFFF  }
0xa5: {  	s26 =	simm.s32 $execute0_lowered;
	[smem:$0x3FD2] =	sst s25  }
0xa6: {  	s5 =	sshll.u32 s26, $0x1;
	_ =	strace $0x80000046;
	[dreg:$0x1] =	wrdreg $0xFFFFFFFF  }
0xa7: {  	s28 =	simm.s32 $_size_execute0_lowered;
	s3 =	sadd.s32 s3, s5;
	[dreg:$0x0] =	wrdreg $0x0  }
0xa8: {  	s5 =	sshll.u32 s28, $0x1;
	[dreg:$0x2] =	wrdreg s3  }
0xa9: {  	[dreg:$0x3] =	wrdreg s5  }
0xaa: {  	[dreg:$0x4] =	wrdreg $0xC0  }
0xab: {  	_ =	task [dreg:s7], $0x5FFFF  }
0xac: {  	[dreg:$0x1] =	wrdreg $0xFFFFFFFF  }
0xad: {  	[dreg:$0x0] =	wrdreg $0x60  }
0xae: {  	[dreg:$0x2] =	wrdreg s2  }
0xaf: {  	[dreg:$0x3] =	wrdreg s24  }
0xb0: {  	[dreg:$0x4] =	wrdreg $0x9  }
0xb1: {  	_ =	task.clear_ibuf [dreg:s7], $0x5FFFF;
	_ =	strace $0x90000046  }
0xb2: {  	s29 =	simm.s32 $0x9;
	_ =	strace $0x80000048  }
0xb3: {  	_ =	swait.ge [sflag:s29], $0x1  }
0xb4: {  	[sflag:s29] =	ssyncadd.s32 $0xFFFFFFFF  }
0xb5: {  	_ =	strace $0x90000048  }
0xb6: {  	_ =	sfence  }
0xb7: {  	s30 =	sld [smem:$0x0];
	_ =	sdelay $0x2  }
0xb8: {  	s31 =	sshll.u32 s1, $0xD;
	s1 =	sshrl.u32 s1, $0x2  }
0xb9: {  	s3 =	sand.u32 $0x4000, s31;
	s1 =	sadd.s32 s1, s30  }
0xba: {  	s0 =	sor.u32 s3, s0;
	s1 =	sshll.u32 s1, $0x11  }
0xbb: {  	s0 =	sor.u32 s1, s0  }
0xbc: {  	s0 =	sadd.s32 $0x8F2B, s0  }
0xbd: {  	[sflag:s0] =	ssyncadd.remote.s32 $0x1  }
0xbe: {  	_ =	sfence.sel $0xFFFF  }
0xbf: {  	[dreg:$0x0] =	wrdreg $0xFFFFFFFF;
	(pc) =	sbr.abs _section_cstart, $3  }
0xc0: {  	[dreg:$0x1] =	wrdreg $0xFFFFFFFF  }
0xc1: {  	_ =	task.clear_ibuf [dreg:s7], $0x2FFFF;
	_ =	strace $0x9FFFFFFF  }
0xc2: {  	(tm) =	ssettm $0x7FFFFFFF  }
0xc3: {  	_ =	shalt  }
tec
execute0_lowered:
.L_overlay_start_1:
0x0: {  	(tag) =	ssettag $0x1  }
0x1: {  	s0 =	rddreg [dreg:$0x0]  }
0x2: {  	s1 =	rddreg [dreg:$0x1]  }
0x3: {  	s2 =	srdreg.scid;
	s4 =	simm.s32 $0x0;
	s3 =	stileid.u32  }
0x4: {  	s7 =	simm.s32 $0x2;
	s8 =	simm.s32 $0x200;
	s31 =	simm.s32 $0x7000  }
0x5: {  	s9 =	simm.s32 $0x7400;
	s10 =	simm.s32 $0x3600;
	s11 =	simm.s32 $0x7600  }
0x6: {  	s12 =	simm.s32 $0x3800;
	s13 =	simm.s32 $0x7800;
	s14 =	simm.s32 $0x3A00  }
0x7: {  	s15 =	simm.s32 $0x7A00;
	s16 =	simm.s32 $0x3C00;
	s17 =	simm.s32 $0x7C00  }
0x8: {  	s18 =	simm.s32 $0x3E00;
	s19 =	simm.s32 $0x7E00;
	s20 =	simm.s32 $0x4000  }
0x9: {  	s21 =	simm.s32 $0x8000;
	s22 =	simm.s32 $0x1;
	s23 =	simm.s32 $0x8200  }
0xa: {  	s24 =	simm.s32 $0x0;
	s2 =	sand.u32 $0x1, s2;
	[smem:$0x7FF] =	sst s4  }
0xb: {  	s3 =	sshll.u32 s3, $0x7;
	s30 =	sshll.u32 s2, $0x6;
	s2 =	ssub.s32 $0x2, s2  }
0xc: {  	_ =	strace $0x80000047;
	s4 =	sor.u32 s30, s3;
	s5 =	sshrl.u32 s2, $0x1  }
0xd: {  	s3 =	sadd.s32 $0x400, s1;
	s1 =	sadd.s32 s4, s1;
	s2 =	ssub.s32 s2, s5  }
0xe: {  	s4 =	sadd.s32 s0, s4;
	s0 =	simm.s32 $0x3200;
	s5 =	sadd.s32 $0x3D0E00, s1  }
0xf: {  	v0 =	vlaneseq.u32;
	s6 =	smax.u32 s2, $0x1;
	s1 =	simm.s32 $0x7200;
	s2 =	simm.s32 $0x3400  }
.LBB2_1:
0x10: {  	s25 =	simm.s32 $0x0  }
0x11: {  	[tilespmem:s25], [sflag:$0x2] =	stream.linear.gather [hbm4b:s4+s25], $0x200, $0x38;
	[tilespmem:$0xC200] =	vst v63  }
0x12: {  	_ =	swait.ge [sflag:s7], $0x200  }
0x13: {  	[sflag:s7] =	ssyncset.done $0x0  }
0x14: {  	s25 =	simm.s32 $0x0;
	[sflag:s7] =	ssyncadd.s32 $0xFFFFFE00  }
0x15: {  	v1 =	vld [tilespmem:s25+$0x0];
	_ =	sdelay $0x4  }
0x16: {  	v2 =	vshll.u32 v1, $0x3  }
0x17: {  	v1 =	vand.u32 $0x7F, v1;
	v2 =	vand.u32 $0xFFFFFC00, v2  }
0x18: {  	v6 =	vor.u32 v1, v2  }
0x19: {  	v1 =	vadd.s32 $0x16E3F80, v6;
	[tilespmem:s25+$0x200] =	vst v6  }
0x1a: {  	v2 =	vadd.s32 $0x16E3F00, v6;
	[tilespmem:s25+$0x4000] =	vst v1  }
0x1b: {  	v3 =	vadd.s32 $0xF42800, v6;
	[tilespmem:s25+$0x3E00] =	vst v2  }
0x1c: {  	v4 =	vadd.s32 $0xF42900, v6;
	[tilespmem:s25+$0x2200] =	vst v3  }
0x1d: {  	v7 =	vadd.s32 $0x7A1700, v6;
	[tilespmem:s25+$0x2600] =	vst v4  }
0x1e: {  	v10 =	vadd.s32 $0xF42880, v6;
	[tilespmem:s25+$0x1E00] =	vst v7  }
0x1f: {  	v8 =	vor.u32 $0x80, v6;
	[tilespmem:s25+$0x2400] =	vst v10  }
0x20: {  	v14 =	vadd.s32 $0x7A1780, v6;
	[tilespmem:s25+$0x400] =	vst v8  }
0x21: {  	v1 =	vadd.s32 $0x16E3E80, v6;
	[tilespmem:s25+$0x2000] =	vst v14  }
0x22: {  	v2 =	vadd.s32 $0x16E3E00, v6;
	[tilespmem:s25+$0x3C00] =	vst v1  }
0x23: {  	v1 =	vadd.s32 $0x16E3D80, v6;
	[tilespmem:s25+$0x3A00] =	vst v2  }
0x24: {  	v2 =	vadd.s32 $0x16E3D00, v6;
	[tilespmem:s25+$0x3800] =	vst v1  }
0x25: {  	v9 =	vadd.s32 $0x7A1400, v6;
	v1 =	vadd.s32 $0x16E3C80, v6;
	[tilespmem:s25+$0x3600] =	vst v2  }
0x26: {  	v12 =	vadd.s32 $0x7A1480, v6;
	v2 =	vadd.s32 $0xF42B80, v6;
	[tilespmem:s25+$0x3400] =	vst v1  }
0x27: {  	v5 =	vor.u32 $0x200, v6;
	v11 =	vadd.s32 $0x7A1500, v6;
	v1 =	vadd.s32 $0xF42B00, v6;
	[tilespmem:s25+$0x3000] =	vst v2  }
0x28: {  	v13 =	vor.u32 $0x380, v6;
	v3 =	vadd.s32 $0x7A1680, v6;
	v2 =	vadd.s32 $0xF42A80, v6;
	[tilespmem:s25+$0x2E00] =	vst v1  }
0x29: {  	v4 =	vor.u32 $0x180, v6;
	v7 =	vor.u32 $0x280, v6;
	v1 =	vadd.s32 $0xF42A00, v6;
	[tilespmem:s25+$0x2C00] =	vst v2  }
0x2a: {  	v10 =	vor.u32 $0x300, v6;
	v8 =	vadd.s32 $0x7A1580, v6;
	v2 =	vadd.s32 $0xF42980, v6;
	[tilespmem:s25+$0x2A00] =	vst v1  }
0x2b: {  	s26 =	simm.s32 $0x40;
	[tilespmem:s25+$0x2800] =	vst v2;
	v1 =	vadd.s32 $0x16E3C00, v6;
	v2 =	vor.u32 $0x100, v6;
	v6 =	vadd.s32 $0x7A1600, v6  }
.LBB2_2:
0x2c: {  	s28 =	sshra.s32 s26, $0x2;
	p0 =	sne.s32 s26, $0x7C0;
	s26 =	sadd.s32 $0x40, s26;
	[tilespmem:s25+$0x1C00] =	vst v3  }
0x2d: {  	v3 =	vld [tilespmem:s28+$0x0];
	[tilespmem:s25+$0x600] =	vst v2  }
0x2e: {  	[tilespmem:s25+$0x800] =	vst v4  }
0x2f: {  	[tilespmem:s25+$0xA00] =	vst v5  }
0x30: {  	[tilespmem:s25+$0xC00] =	vst v7  }
0x31: {  	[tilespmem:s25+$0xE00] =	vst v10  }
0x32: {  	v2 =	vshll.u32 v3, $0x3;
	[tilespmem:s25+$0x1000] =	vst v13  }
0x33: {  	v3 =	vand.u32 $0x7F, v3;
	v2 =	vand.u32 $0xFFFFFC00, v2;
	[tilespmem:s25+$0x1200] =	vst v9  }
0x34: {  	v14 =	vor.u32 v3, v2;
	[tilespmem:s25+$0x1400] =	vst v12  }
0x35: {  	v15 =	vor.u32 $0x80, v14;
	v4 =	vadd.s32 $0x16E3C00, v14;
	v9 =	vadd.s32 $0x16E3F80, v14;
	[tilespmem:s25+$0x1600] =	vst v11  }
0x36: {  	v2 =	vor.u32 $0x100, v14;
	v3 =	vadd.s32 $0x7A1680, v14;
	v11 =	vadd.s32 $0x16E3F00, v14;
	[tilespmem:s25+$0x3200] =	vst v1;
	v1 =	vmovc v4  }
0x37: {  	v16 =	vadd.s32 $0x7A1700, v14;
	v12 =	vadd.s32 $0x16E3E80, v14;
	v4 =	vor.u32 $0x180, v14;
	[tilespmem:s25+$0x1800] =	vst v8  }
0x38: {  	v5 =	vor.u32 $0x200, v14;
	v17 =	vadd.s32 $0x7A1780, v14;
	v8 =	vadd.s32 $0x16E3E00, v14;
	[tilespmem:s28+$0x200] =	vst v14  }
0x39: {  	v7 =	vor.u32 $0x280, v14;
	v18 =	vadd.s32 $0xF42800, v14;
	v19 =	vadd.s32 $0x16E3D80, v14;
	[tilespmem:s25+$0x1A00] =	vst v6;
	s25 =	smov.u32 s28  }
0x3a: {  	v10 =	vor.u32 $0x300, v14;
	v20 =	vadd.s32 $0xF42880, v14;
	v6 =	vadd.s32 $0x16E3D00, v14;
	[tilespmem:s25+$0x4000] =	vst v9  }
0x3b: {  	v13 =	vor.u32 $0x380, v14;
	v21 =	vadd.s32 $0xF42900, v14;
	v22 =	vadd.s32 $0x16E3C80, v14;
	[tilespmem:s25+$0x3E00] =	vst v11  }
0x3c: {  	v23 =	vadd.s32 $0xF42980, v14;
	v9 =	vadd.s32 $0x7A1400, v14;
	[tilespmem:s25+$0x3C00] =	vst v12  }
0x3d: {  	v24 =	vadd.s32 $0xF42A00, v14;
	v12 =	vadd.s32 $0x7A1480, v14;
	[tilespmem:s25+$0x3A00] =	vst v8  }
0x3e: {  	v25 =	vadd.s32 $0xF42A80, v14;
	v11 =	vadd.s32 $0x7A1500, v14;
	[tilespmem:s25+$0x3800] =	vst v19  }
0x3f: {  	v8 =	vadd.s32 $0x7A1580, v14;
	v19 =	vadd.s32 $0xF42B00, v14;
	[tilespmem:s25+$0x3600] =	vst v6  }
0x40: {  	v6 =	vadd.s32 $0x7A1600, v14;
	v14 =	vadd.s32 $0xF42B80, v14;
	[tilespmem:s25+$0x3400] =	vst v22  }
0x41: {  	[tilespmem:s25+$0x3000] =	vst v14  }
0x42: {  	[tilespmem:s25+$0x2E00] =	vst v19  }
0x43: {  	[tilespmem:s25+$0x2C00] =	vst v25  }
0x44: {  	[tilespmem:s25+$0x2A00] =	vst v24  }
0x45: {  	[tilespmem:s25+$0x2800] =	vst v23  }
0x46: {  	[tilespmem:s25+$0x2200] =	vst v18  }
.Ltmp0:
0x47: {  	[tilespmem:s25+$0x2600] =	vst v21;
	(pc) =	sbr.rel @p0 .LBB2_2-.Ltmp0, $4  }
0x48: {  	[tilespmem:s25+$0x1E00] =	vst v16  }
0x49: {  	[tilespmem:s25+$0x2400] =	vst v20  }
0x4a: {  	[tilespmem:s25+$0x400] =	vst v15  }
0x4b: {  	[tilespmem:s25+$0x2000] =	vst v17  }
0x4c: {  	[tilespmem:s25+$0x1C00] =	vst v3  }
0x4d: {  	[tilespmem:s25+$0x600] =	vst v2  }
0x4e: {  	[tilespmem:s25+$0x800] =	vst v4  }
0x4f: {  	[tilespmem:s25+$0xA00] =	vst v5  }
0x50: {  	[tilespmem:s25+$0xC00] =	vst v7  }
0x51: {  	[tilespmem:s25+$0xE00] =	vst v10  }
0x52: {  	[tilespmem:s25+$0x1000] =	vst v13  }
0x53: {  	[tilespmem:s25+$0x1200] =	vst v9  }
0x54: {  	[tilespmem:s25+$0x1400] =	vst v12  }
0x55: {  	[tilespmem:s25+$0x1600] =	vst v11  }
0x56: {  	[tilespmem:s25+$0x3200] =	vst v1  }
0x57: {  	[tilespmem:s25+$0x1800] =	vst v8  }
0x58: {  	[tilespmem:s25+$0x1A00] =	vst v6;
	s26 =	simm.s32 $0x4200  }
0x59: {  	[tilespmem:s26], [sflag:$0x1] =	stream.indirect.gather [hbm4b:s3+s8], $0x1, s8, s8, $0xb8;
	[tilespmem:$0xC200] =	vst v63  }
0x5a: {  	s30 =	simm.s32 $0x400;
	s26 =	simm.s32 $0x4400  }
0x5b: {  	[tilespmem:s26], [sflag:$0x1] =	stream.indirect.gather [hbm4b:s3+s8], $0x1, s30, s8, $0xb8;
	[tilespmem:$0xC200] =	vst v63  }
0x5c: {  	s26 =	simm.s32 $0x600;
	s30 =	simm.s32 $0x4600  }
0x5d: {  	[tilespmem:s30], [sflag:$0x1] =	stream.indirect.gather [hbm4b:s3+s8], $0x1, s26, s8, $0xb8;
	[tilespmem:$0xC200] =	vst v63  }
0x5e: {  	s26 =	simm.s32 $0x800;
	s30 =	simm.s32 $0x4800  }
0x5f: {  	[tilespmem:s30], [sflag:$0x1] =	stream.indirect.gather [hbm4b:s3+s8], $0x1, s26, s8, $0xb8;
	[tilespmem:$0xC200] =	vst v63  }
0x60: {  	s26 =	simm.s32 $0xA00;
	s30 =	simm.s32 $0x4A00  }
0x61: {  	[tilespmem:s30], [sflag:$0x1] =	stream.indirect.gather [hbm4b:s3+s8], $0x1, s26, s8, $0xb8;
	[tilespmem:$0xC200] =	vst v63  }
0x62: {  	s26 =	simm.s32 $0xC00;
	s30 =	simm.s32 $0x4C00  }
0x63: {  	[tilespmem:s30], [sflag:$0x1] =	stream.indirect.gather [hbm4b:s3+s8], $0x1, s26, s8, $0xb8;
	[tilespmem:$0xC200] =	vst v63  }
0x64: {  	s26 =	simm.s32 $0xE00;
	s30 =	simm.s32 $0x4E00  }
0x65: {  	[tilespmem:s30], [sflag:$0x1] =	stream.indirect.gather [hbm4b:s3+s8], $0x1, s26, s8, $0xb8;
	[tilespmem:$0xC200] =	vst v63  }
0x66: {  	s26 =	simm.s32 $0x1000;
	s30 =	simm.s32 $0x5000  }
0x67: {  	[tilespmem:s30], [sflag:$0x1] =	stream.indirect.gather [hbm4b:s3+s8], $0x1, s26, s8, $0xb8;
	[tilespmem:$0xC200] =	vst v63  }
0x68: {  	s26 =	simm.s32 $0x1200;
	s30 =	simm.s32 $0x5200  }
0x69: {  	[tilespmem:s30], [sflag:$0x1] =	stream.indirect.gather [hbm4b:s3+s8], $0x1, s26, s8, $0xb8;
	[tilespmem:$0xC200] =	vst v63  }
0x6a: {  	s26 =	simm.s32 $0x1400;
	s30 =	simm.s32 $0x5400  }
0x6b: {  	[tilespmem:s30], [sflag:$0x1] =	stream.indirect.gather [hbm4b:s3+s8], $0x1, s26, s8, $0xb8;
	[tilespmem:$0xC200] =	vst v63  }
0x6c: {  	s26 =	simm.s32 $0x1600;
	s30 =	simm.s32 $0x5600  }
0x6d: {  	[tilespmem:s30], [sflag:$0x1] =	stream.indirect.gather [hbm4b:s3+s8], $0x1, s26, s8, $0xb8;
	[tilespmem:$0xC200] =	vst v63  }
0x6e: {  	s26 =	simm.s32 $0x1800;
	s30 =	simm.s32 $0x5800  }
0x6f: {  	[tilespmem:s30], [sflag:$0x1] =	stream.indirect.gather [hbm4b:s3+s8], $0x1, s26, s8, $0xb8;
	[tilespmem:$0xC200] =	vst v63  }
0x70: {  	s26 =	simm.s32 $0x1A00;
	s30 =	simm.s32 $0x5A00  }
0x71: {  	[tilespmem:s30], [sflag:$0x1] =	stream.indirect.gather [hbm4b:s3+s8], $0x1, s26, s8, $0xb8;
	[tilespmem:$0xC200] =	vst v63  }
0x72: {  	s26 =	simm.s32 $0x1C00;
	s30 =	simm.s32 $0x5C00  }
0x73: {  	[tilespmem:s30], [sflag:$0x1] =	stream.indirect.gather [hbm4b:s3+s8], $0x1, s26, s8, $0xb8;
	[tilespmem:$0xC200] =	vst v63  }
0x74: {  	s26 =	simm.s32 $0x1E00;
	s30 =	simm.s32 $0x5E00  }
0x75: {  	[tilespmem:s30], [sflag:$0x1] =	stream.indirect.gather [hbm4b:s3+s8], $0x1, s26, s8, $0xb8;
	[tilespmem:$0xC200] =	vst v63  }
0x76: {  	s26 =	simm.s32 $0x2000;
	s30 =	simm.s32 $0x6000  }
0x77: {  	[tilespmem:s30], [sflag:$0x1] =	stream.indirect.gather [hbm4b:s3+s8], $0x1, s26, s8, $0xb8;
	[tilespmem:$0xC200] =	vst v63  }
0x78: {  	s26 =	simm.s32 $0x2200;
	s30 =	simm.s32 $0x6200  }
0x79: {  	[tilespmem:s30], [sflag:$0x1] =	stream.indirect.gather [hbm4b:s3+s8], $0x1, s26, s8, $0xb8;
	[tilespmem:$0xC200] =	vst v63  }
0x7a: {  	s26 =	simm.s32 $0x2400;
	s30 =	simm.s32 $0x6400  }
0x7b: {  	[tilespmem:s30], [sflag:$0x1] =	stream.indirect.gather [hbm4b:s3+s8], $0x1, s26, s8, $0xb8;
	[tilespmem:$0xC200] =	vst v63  }
0x7c: {  	s26 =	simm.s32 $0x2600;
	s30 =	simm.s32 $0x6600  }
0x7d: {  	[tilespmem:s30], [sflag:$0x1] =	stream.indirect.gather [hbm4b:s3+s8], $0x1, s26, s8, $0xb8;
	[tilespmem:$0xC200] =	vst v63  }
0x7e: {  	s26 =	simm.s32 $0x2800;
	s30 =	simm.s32 $0x6800  }
0x7f: {  	[tilespmem:s30], [sflag:$0x1] =	stream.indirect.gather [hbm4b:s3+s8], $0x1, s26, s8, $0xb8;
	[tilespmem:$0xC200] =	vst v63  }
0x80: {  	s26 =	simm.s32 $0x2A00;
	s30 =	simm.s32 $0x6A00  }
0x81: {  	[tilespmem:s30], [sflag:$0x1] =	stream.indirect.gather [hbm4b:s3+s8], $0x1, s26, s8, $0xb8;
	[tilespmem:$0xC200] =	vst v63  }
0x82: {  	s26 =	simm.s32 $0x2C00;
	s30 =	simm.s32 $0x6C00  }
0x83: {  	[tilespmem:s30], [sflag:$0x1] =	stream.indirect.gather [hbm4b:s3+s8], $0x1, s26, s8, $0xb8;
	[tilespmem:$0xC200] =	vst v63  }
0x84: {  	s26 =	simm.s32 $0x2E00;
	s30 =	simm.s32 $0x6E00  }
0x85: {  	[tilespmem:s30], [sflag:$0x1] =	stream.indirect.gather [hbm4b:s3+s8], $0x1, s26, s8, $0xb8;
	[tilespmem:$0xC200] =	vst v63  }
0x86: {  	s30 =	simm.s32 $0x3000  }
0x87: {  	[tilespmem:s31], [sflag:$0x1] =	stream.indirect.gather [hbm4b:s3+s8], $0x1, s30, s8, $0xb8;
	[tilespmem:$0xC200] =	vst v63  }
0x88: {  	_ = 	snop  }
0x89: {  	[tilespmem:s1], [sflag:$0x1] =	stream.indirect.gather [hbm4b:s3+s8], $0x1, s0, s8, $0xb8;
	[tilespmem:$0xC200] =	vst v63  }
0x8a: {  	_ = 	snop  }
0x8b: {  	[tilespmem:s9], [sflag:$0x1] =	stream.indirect.gather [hbm4b:s3+s8], $0x1, s2, s8, $0xb8;
	[tilespmem:$0xC200] =	vst v63  }
0x8c: {  	_ = 	snop  }
0x8d: {  	[tilespmem:s11], [sflag:$0x1] =	stream.indirect.gather [hbm4b:s3+s8], $0x1, s10, s8, $0xb8;
	[tilespmem:$0xC200] =	vst v63  }
0x8e: {  	_ = 	snop  }
0x8f: {  	[tilespmem:s13], [sflag:$0x1] =	stream.indirect.gather [hbm4b:s3+s8], $0x1, s12, s8, $0xb8;
	[tilespmem:$0xC200] =	vst v63  }
0x90: {  	_ = 	snop  }
0x91: {  	[tilespmem:s15], [sflag:$0x1] =	stream.indirect.gather [hbm4b:s3+s8], $0x1, s14, s8, $0xb8;
	[tilespmem:$0xC200] =	vst v63  }
0x92: {  	_ = 	snop  }
0x93: {  	[tilespmem:s17], [sflag:$0x1] =	stream.indirect.gather [hbm4b:s3+s8], $0x1, s16, s8, $0xb8;
	[tilespmem:$0xC200] =	vst v63  }
0x94: {  	_ = 	snop  }
0x95: {  	[tilespmem:s19], [sflag:$0x1] =	stream.indirect.gather [hbm4b:s3+s8], $0x1, s18, s8, $0xb8;
	[tilespmem:$0xC200] =	vst v63  }
0x96: {  	_ = 	snop  }
0x97: {  	[tilespmem:s21], [sflag:$0x1] =	stream.indirect.gather [hbm4b:s3+s8], $0x1, s20, s8, $0xb8;
	[tilespmem:$0xC200] =	vst v63  }
0x98: {  	_ =	swait.ge [sflag:s22], $0x200  }
0x99: {  	[sflag:s22] =	ssyncset.done $0x0  }
0x9a: {  	[sflag:s22] =	ssyncadd.s32 $0xFFFFFE00  }
0x9b: {  	_ =	swait.ge [sflag:s22], $0x200  }
0x9c: {  	[sflag:s22] =	ssyncset.done $0x0  }
0x9d: {  	[sflag:s22] =	ssyncadd.s32 $0xFFFFFE00  }
0x9e: {  	_ =	swait.ge [sflag:s22], $0x200  }
0x9f: {  	[sflag:s22] =	ssyncset.done $0x0  }
0xa0: {  	[sflag:s22] =	ssyncadd.s32 $0xFFFFFE00  }
0xa1: {  	_ =	swait.ge [sflag:s22], $0x200  }
0xa2: {  	[sflag:s22] =	ssyncset.done $0x0  }
0xa3: {  	[sflag:s22] =	ssyncadd.s32 $0xFFFFFE00  }
0xa4: {  	_ =	swait.ge [sflag:s22], $0x200  }
0xa5: {  	[sflag:s22] =	ssyncset.done $0x0  }
0xa6: {  	[sflag:s22] =	ssyncadd.s32 $0xFFFFFE00  }
0xa7: {  	_ =	swait.ge [sflag:s22], $0x200  }
0xa8: {  	[sflag:s22] =	ssyncset.done $0x0  }
0xa9: {  	[sflag:s22] =	ssyncadd.s32 $0xFFFFFE00  }
0xaa: {  	_ =	swait.ge [sflag:s22], $0x200  }
0xab: {  	[sflag:s22] =	ssyncset.done $0x0  }
0xac: {  	[sflag:s22] =	ssyncadd.s32 $0xFFFFFE00  }
0xad: {  	_ =	swait.ge [sflag:s22], $0x200  }
0xae: {  	[sflag:s22] =	ssyncset.done $0x0  }
0xaf: {  	[sflag:s22] =	ssyncadd.s32 $0xFFFFFE00  }
0xb0: {  	_ =	swait.ge [sflag:s22], $0x200  }
0xb1: {  	[sflag:s22] =	ssyncset.done $0x0  }
0xb2: {  	[sflag:s22] =	ssyncadd.s32 $0xFFFFFE00  }
0xb3: {  	_ =	swait.ge [sflag:s22], $0x200  }
0xb4: {  	[sflag:s22] =	ssyncset.done $0x0  }
0xb5: {  	[sflag:s22] =	ssyncadd.s32 $0xFFFFFE00  }
0xb6: {  	_ =	swait.ge [sflag:s22], $0x200  }
0xb7: {  	[sflag:s22] =	ssyncset.done $0x0  }
0xb8: {  	[sflag:s22] =	ssyncadd.s32 $0xFFFFFE00  }
0xb9: {  	_ =	swait.ge [sflag:s22], $0x200  }
0xba: {  	[sflag:s22] =	ssyncset.done $0x0  }
0xbb: {  	[sflag:s22] =	ssyncadd.s32 $0xFFFFFE00  }
0xbc: {  	_ =	swait.ge [sflag:s22], $0x200  }
0xbd: {  	[sflag:s22] =	ssyncset.done $0x0  }
0xbe: {  	[sflag:s22] =	ssyncadd.s32 $0xFFFFFE00  }
0xbf: {  	_ =	swait.ge [sflag:s22], $0x200  }
0xc0: {  	[sflag:s22] =	ssyncset.done $0x0  }
0xc1: {  	[sflag:s22] =	ssyncadd.s32 $0xFFFFFE00  }
0xc2: {  	_ =	swait.ge [sflag:s22], $0x200  }
0xc3: {  	[sflag:s22] =	ssyncset.done $0x0  }
0xc4: {  	[sflag:s22] =	ssyncadd.s32 $0xFFFFFE00  }
0xc5: {  	_ =	swait.ge [sflag:s22], $0x200  }
0xc6: {  	[sflag:s22] =	ssyncset.done $0x0  }
0xc7: {  	[sflag:s22] =	ssyncadd.s32 $0xFFFFFE00  }
0xc8: {  	_ =	swait.ge [sflag:s22], $0x200  }
0xc9: {  	[sflag:s22] =	ssyncset.done $0x0  }
0xca: {  	[sflag:s22] =	ssyncadd.s32 $0xFFFFFE00  }
0xcb: {  	_ =	swait.ge [sflag:s22], $0x200  }
0xcc: {  	[sflag:s22] =	ssyncset.done $0x0  }
0xcd: {  	[sflag:s22] =	ssyncadd.s32 $0xFFFFFE00  }
0xce: {  	_ =	swait.ge [sflag:s22], $0x200  }
0xcf: {  	[sflag:s22] =	ssyncset.done $0x0  }
0xd0: {  	[sflag:s22] =	ssyncadd.s32 $0xFFFFFE00  }
0xd1: {  	_ =	swait.ge [sflag:s22], $0x200  }
0xd2: {  	[sflag:s22] =	ssyncset.done $0x0  }
0xd3: {  	[sflag:s22] =	ssyncadd.s32 $0xFFFFFE00  }
0xd4: {  	_ =	swait.ge [sflag:s22], $0x200  }
0xd5: {  	[sflag:s22] =	ssyncset.done $0x0  }
0xd6: {  	[sflag:s22] =	ssyncadd.s32 $0xFFFFFE00  }
0xd7: {  	_ =	swait.ge [sflag:s22], $0x200  }
0xd8: {  	[sflag:s22] =	ssyncset.done $0x0  }
0xd9: {  	[sflag:s22] =	ssyncadd.s32 $0xFFFFFE00  }
0xda: {  	_ =	swait.ge [sflag:s22], $0x200  }
0xdb: {  	[sflag:s22] =	ssyncset.done $0x0  }
0xdc: {  	[sflag:s22] =	ssyncadd.s32 $0xFFFFFE00  }
0xdd: {  	_ =	swait.ge [sflag:s22], $0x200  }
0xde: {  	[sflag:s22] =	ssyncset.done $0x0  }
0xdf: {  	[sflag:s22] =	ssyncadd.s32 $0xFFFFFE00  }
0xe0: {  	_ =	swait.ge [sflag:s22], $0x200  }
0xe1: {  	[sflag:s22] =	ssyncset.done $0x0  }
0xe2: {  	[sflag:s22] =	ssyncadd.s32 $0xFFFFFE00  }
0xe3: {  	_ =	swait.ge [sflag:s22], $0x200  }
0xe4: {  	[sflag:s22] =	ssyncset.done $0x0  }
0xe5: {  	[sflag:s22] =	ssyncadd.s32 $0xFFFFFE00  }
0xe6: {  	_ =	swait.ge [sflag:s22], $0x200  }
0xe7: {  	[sflag:s22] =	ssyncset.done $0x0  }
0xe8: {  	[sflag:s22] =	ssyncadd.s32 $0xFFFFFE00  }
0xe9: {  	_ =	swait.ge [sflag:s22], $0x200  }
0xea: {  	[sflag:s22] =	ssyncset.done $0x0  }
0xeb: {  	[sflag:s22] =	ssyncadd.s32 $0xFFFFFE00  }
0xec: {  	_ =	swait.ge [sflag:s22], $0x200  }
0xed: {  	[sflag:s22] =	ssyncset.done $0x0  }
0xee: {  	[sflag:s22] =	ssyncadd.s32 $0xFFFFFE00  }
0xef: {  	_ =	swait.ge [sflag:s22], $0x200  }
0xf0: {  	[sflag:s22] =	ssyncset.done $0x0  }
0xf1: {  	[sflag:s22] =	ssyncadd.s32 $0xFFFFFE00  }
0xf2: {  	_ =	swait.ge [sflag:s22], $0x200  }
0xf3: {  	[sflag:s22] =	ssyncset.done $0x0  }
0xf4: {  	[sflag:s22] =	ssyncadd.s32 $0xFFFFFE00  }
0xf5: {  	s26 =	simm.s32 $0x0;
	s30 =	simm.s32 $0x0;
	_ =	swait.ge [sflag:s22], $0x200  }
0xf6: {  	s28 =	sand.u32 $0x1E0, s26;
	s26 =	sand.u32 $0xFFFFFE00, s30;
	[sflag:s22] =	ssyncset.done $0x0  }
0xf7: {  	s25 =	simm.s32 $0x4210;
	s28 =	sor.u32 s28, s26;
	[sflag:s22] =	ssyncadd.s32 $0xFFFFFE00  }
0xf8: {  	v2 =	vor.u32 s28, v0;
	v1 =	vld [tilespmem:s25+$0xFFFFFFF0];
	_ =	sdelay $0x2  }
0xf9: {  	s28 =	simm.s32 $0x10  }
0xfa: {  	s28 =	sand.u32 $0x1F0, s28  }
0xfb: {  	s26 =	sor.u32 s26, s28;
	[tilespmem:v2+s23+$0x0] =	vst.idx.msk $0xffff, v1  }
0xfc: {  	v2 =	vor.u32 s26, v0;
	v1 =	vld [tilespmem:s25+$0x0];
	_ =	sdelay $0x2  }
0xfd: {  	s29 =	simm.s32 $0x20;
	s28 =	simm.s32 $0x2;
	s26 =	simm.s32 $0x20  }
.LBB2_4:
0xfe: {  	p0 =	sne.s32 s28, $0x1FF;
	s30 =	sand.u32 $0x1E0, s26;
	s29 =	sand.u32 $0xFFFFFE00, s29  }
0xff: {  	s25 =	sadd.s32 $0x20, s25;
	s30 =	sor.u32 s30, s29;
	[tilespmem:v2+s23+$0x0] =	vst.idx.msk $0xffff, v1  }
0x100: {  	v1 =	vld [tilespmem:s25+$0xFFFFFFF0];
	v2 =	vor.u32 s30, v0;
	_ =	sdelay $0x2  }
0x101: {  	s30 =	sadd.s32 $0x10, s26  }
0x102: {  	s30 =	sand.u32 $0x1F0, s30  }
.Ltmp1:
0x103: {  	s29 =	sor.u32 s29, s30;
	[tilespmem:v2+s23+$0x0] =	vst.idx.msk $0xffff, v1;
	(pc) =	sbr.rel @p0 .LBB2_4-.Ltmp1, $2  }
0x104: {  	v2 =	vor.u32 s29, v0;
	v1 =	vld [tilespmem:s25+$0x0];
	_ =	sdelay $0x2  }
0x105: {  	s26 =	sadd.s32 $0x20, s26;
	s29 =	sshll.u32 s28, $0x5;
	s28 =	sadd.s32 $0x1, s28  }
0x106: {  	_ =	sdelay $0x2  }
0x107: {  	s28 =	sand.u32 $0x1E0, s26;
	s29 =	sand.u32 $0xFFFFFE00, s29  }
0x108: {  	s25 =	sadd.s32 $0x20, s25;
	s28 =	sor.u32 s28, s29;
	[tilespmem:v2+s23+$0x0] =	vst.idx.msk $0xffff, v1  }
0x109: {  	v1 =	vld [tilespmem:s25+$0xFFFFFFF0];
	v2 =	vor.u32 s28, v0;
	_ =	sdelay $0x2  }
0x10a: {  	s30 =	sadd.s32 $0x10, s26  }
0x10b: {  	s26 =	sand.u32 $0x1F0, s30  }
0x10c: {  	s26 =	sor.u32 s29, s26;
	[tilespmem:v2+s23+$0x0] =	vst.idx.msk $0xffff, v1  }
0x10d: {  	v2 =	vor.u32 s26, v0;
	v1 =	vld [tilespmem:s25+$0x0];
	_ =	sdelay $0x2  }
0x10e: {  	s24 =	sadd.s32 $0x1, s24  }
0x10f: {  	p0 =	sne.s32 s24, s6  }
.Ltmp2:
0x110: {  	[tilespmem:v2+s23+$0x0] =	vst.idx.msk $0xffff, v1;
	(pc) =	sbr.rel @p0 .LBB2_1-.Ltmp2, $4  }
0x111: {  	[hbm4b:s5+s8] =	stream.strided.scatter [tilespmem:s23], [sflag:$0x2], $0x4000, s20, s8, $0x38;
	[tilespmem:$0xC200] =	vst v63  }
0x112: {  	_ =	swait.ge [sflag:s7], $0x4000  }
0x113: {  	[sflag:s7] =	ssyncset.done $0x0  }
0x114: {  	[sflag:s7] =	ssyncadd.s32 $0xFFFFC000  }
0x115: {  	_ =	sfence.sel $0x180000  }
0x116: {  	[bflag:$0x0] =	sbarrier.arrive $0xFFFF  }
0x117: {  	_ =	strace $0x90000047  }
0x118: {  	s0 =	stileid.u32;
	[bflag:$0x2] =	sbarrier.arrive $0xFFFF  }
0x119: {  	p0 =	sne.s32 s0, $0x0;
	s0 =	rddreg [dreg:$0x2]  }
0x11a: {  	s0 =	sadd.s32 @!p0 $0x100000, s0  }
0x11b: {  	[sflag:s0] =	ssyncadd.tile.s32 @!p0 $0x1;
	_ =	shalt  }
.Lfunc_end2:
_tile_overlayer_lowered:
.L_overlay_start_2:
0x11c: {  	(tag) =	ssettag $0x2  }
0x11d: {  	s0 =	rddreg [dreg:$0x0];
	s2 =	stileid.u32  }
0x11e: {  	s1 =	rddreg [dreg:$0x1];
	p0 =	sne.s32 s2, $0x0  }
0x11f: {  	s3 =	rddreg [dreg:$0x2];
	[bflag:$0x3] =	sbarrier.arrive $0xFFFF;
	s2 =	simm.s32 @!p0 $0x1C02  }
0x120: {  	[timem:s3], [sflag:s2] =	dma.local @!p0 [hbm:s0], s1  }
0x121: {  	s0 =	simm.s32 @!p0 $0x2  }
0x122: {  	_ =	swait.ge @!p0 [sflag:s0], s1  }
0x123: {  	s1 =	ssub.s32 @!p0 $0x0, s1;
	[sflag:s0] =	ssyncset.done @!p0 $0x0  }
0x124: {  	[sflag:s0] =	ssyncadd.s32 @!p0 s1  }
0x125: {  	[bflag:$0x3] =	sbarrier.arrive $0xFFFF  }
0x126: {  	_ =	shalt  }

</sc_bundles>
